<compile_context>
chip_gen: v7x
topology: tpu7x:2x2x1
jax: 0.10.2.dev20260603
libtpu: 0.0.44.dev20260713+nightly
codegen_flags: <defaults>
</compile_context>

<pallas_src>
import dataclasses
import functools

import jax
import jax.numpy as jnp
from jax import lax
from jax.experimental import pallas as pl
from jax.experimental.pallas import tpu as pltpu
from jax.experimental.pallas import tpu_sc as plsc

_L = 200
_D = 32
_B = 4096
_NW = 32
_NB = 128
_NITEMS = _L * (_B // _NB)
_IPW = _NITEMS // _NW
_LG = _L // 8


def _compiler_params():
    cp = pltpu.CompilerParams(use_tc_tiling_on_sc=False)
    if "needs_layout_passes" in pltpu.CompilerParams.__dataclass_fields__:
        cp = dataclasses.replace(cp, needs_layout_passes=False)
    return cp


def _sc_embed(xv, token_table, pos_table):
    mesh = plsc.VectorSubcoreMesh(core_axis_name="c", subcore_axis_name="s")

    @functools.partial(
        pl.kernel,
        out_type=jax.ShapeDtypeStruct((_L, _D // 8, _B // _NB, 8, _NB),
                                      jnp.float32),
        mesh=mesh,
        compiler_params=_compiler_params(),
        scratch_types=[
            pltpu.VMEM((_L, _D), jnp.float32),
            pltpu.VMEM((2, _NB), jnp.int32),
            pltpu.VMEM((2, _NB, _D), jnp.float32),
            pltpu.VMEM((2, _D, _NB + 1), jnp.float32),
            pltpu.SemaphoreType.DMA,
            pltpu.SemaphoreType.DMA,
            pltpu.SemaphoreType.DMA,
        ],
    )
    def k(x_hbm, tok_hbm, pos_hbm, out_hbm, pos_v, idx_v, g_v, out_v,
          isem, gsem, osem):
        wid = lax.axis_index("s") * 2 + lax.axis_index("c")
        q0 = wid * _IPW
        pltpu.sync_copy(pos_hbm, pos_v)

        row_lo = lax.iota(jnp.int32, 16)
        row_hi = row_lo + 16

        def item_coords(i):
            q = q0 + i
            l = q // (_B // _NB)
            bg = q % (_B // _NB)
            return l, bg

        def fire_idx(i, b):
            l, bg = item_coords(i)
            pltpu.async_copy(x_hbm.at[l // 8, bg, l % 8], idx_v.at[b], isem)

        def fire_gather(b):
            pltpu.async_copy(tok_hbm.at[idx_v.at[b]], g_v.at[b], gsem)

        def drain(dummy_src, dst, sem):
            pltpu.make_async_copy(dummy_src, dst, sem).wait()

        for b in (0, 1):
            fire_idx(b, b)
        for b in (0, 1):
            drain(x_hbm.at[0, 0, 0], idx_v.at[b], isem)
            fire_gather(b)

        @pl.loop(0, _IPW, step=2)
        def _slot(i0):
            for b in (0, 1):
                i = i0 + b
                l, bg = item_coords(i)
                gb = g_v.at[b]
                ob = out_v.at[b]

                drain(tok_hbm.at[idx_v.at[b]], gb, gsem)
                @pl.when(i >= 2)
                def _():
                    for _g in range(4):
                        drain(tok_hbm.at[idx_v.at[b]],
                              ob.at[pl.ds(0, 8), pl.ds(0, _NB)], osem)

                pv0 = pos_v[l, pl.ds(0, 16)]
                pv1 = pos_v[l, pl.ds(16, 16)]

                @plsc.parallel_loop(0, _NB, step=1, unroll=8)
                def _rows(r):
                    col = jnp.full((16,), r, jnp.int32)
                    v0 = gb[r, pl.ds(0, 16)] + pv0
                    v1 = gb[r, pl.ds(16, 16)] + pv1
                    plsc.store_scatter(ob, [row_lo, col], v0)
                    plsc.store_scatter(ob, [row_hi, col], v1)

                for g in range(4):
                    pltpu.async_copy(ob.at[pl.ds(8 * g, 8), pl.ds(0, _NB)],
                                     out_hbm.at[l, g, bg], osem)

                @pl.when(i + 2 < _IPW)
                def _():
                    fire_idx(i + 2, b)
                    drain(x_hbm.at[0, 0, 0], idx_v.at[b], isem)
                    fire_gather(b)

        for b in (0, 1):
            for _g in range(4):
                drain(tok_hbm.at[idx_v.at[b]],
                      out_v.at[b].at[pl.ds(0, 8), pl.ds(0, _NB)], osem)

    return k(xv, token_table, pos_table)


def kernel(x, token_table, pos_table):
    b, l = x.shape
    xi = x.astype(jnp.int32)
    xv = jnp.transpose(xi.reshape(_B // _NB, _NB, _LG, 8), (2, 0, 3, 1))
    nrow = token_table.shape[0] * _D // 128
    tt128 = jax.lax.optimization_barrier(jnp.reshape(token_table, (nrow, 128)))
    ttlin = jnp.reshape(tt128, token_table.shape)
    out5 = _sc_embed(xv, ttlin, pos_table)
    return jnp.transpose(out5, (2, 4, 0, 1, 3)).reshape(b, l, _D)

# --- scband reference (transcript-rebuilt; emitter-appended) ---
"""Pipeline reference for scband-token-and-position-embedding-7146825580585 (READ-ONLY COPY).

The authoritative reference and input builder live on the scoring server;
editing this copy changes nothing except your own understanding.
"""

import jax, jax.numpy as jnp
import numpy as np

VOCAB = 1000000
MAX_LEN = 200
EMBED_DIM = 32
BATCH = 4096


def setup_inputs(seed: int = 0) -> dict:
    key = jax.random.key(seed)
    k1, k2, k3 = jax.random.split(key, 3)
    x = jax.random.randint(k1, (BATCH, MAX_LEN), 0, VOCAB, dtype=jnp.int64 if jax.config.jax_enable_x64 else jnp.int32)
    token_table = jax.random.normal(k2, (VOCAB, EMBED_DIM), dtype=jnp.float32) * 0.02
    pos_table = jax.random.normal(k3, (MAX_LEN, EMBED_DIM), dtype=jnp.float32) * 0.02
    return {"x": x, "token_table": token_table, "pos_table": pos_table}


def reference(x, token_table, pos_table):
    seq_len = x.shape[-1]
    positions = jnp.arange(0, seq_len)
    pos_emb = jnp.take(pos_table, positions, axis=0)          # [L, D]
    tok_emb = jnp.take(token_table, x, axis=0)                # [B, L, D]
    return tok_emb + pos_emb[None, :, :]

if __name__ == "__main__":
    import jax
    _d = setup_inputs()
    print(jax.jit(kernel)(*tuple(_d.values())))

</pallas_src>

<mosaic_0001>
#map = affine_map<(d0, d1) -> (0, 0, 0, 0)>
#map1 = affine_map<(d0, d1) -> (0, 0)>
#map2 = affine_map<(d0, d1) -> (0, 0, 0, 0, 0)>
module attributes {stable_mosaic.version = 14 : i64} {
  func.func @k(%arg0: i32, %arg1: i32, %arg2: memref<25x32x8x128xi32, #tpu.memory_space<hbm>>, %arg3: memref<1000000x32xf32, #tpu.memory_space<hbm>>, %arg4: memref<200x32xf32, #tpu.memory_space<hbm>>, %arg5: memref<200x4x32x8x128xf32, #tpu.memory_space<hbm>>, %arg6: memref<200x32xf32, #tpu.memory_space<vmem>>, %arg7: memref<2x128xi32, #tpu.memory_space<vmem>>, %arg8: memref<2x128x32xf32, #tpu.memory_space<vmem>>, %arg9: memref<2x32x129xf32, #tpu.memory_space<vmem>>, %arg10: memref<!tpu.dma_semaphore, #tpu.memory_space<semaphore_mem>>, %arg11: memref<!tpu.dma_semaphore, #tpu.memory_space<semaphore_mem>>, %arg12: memref<!tpu.dma_semaphore, #tpu.memory_space<semaphore_mem>>) attributes {dimension_semantics = [#tpu.dimension_semantics<core_parallel>, #tpu.dimension_semantics<subcore_parallel>], iteration_bounds = array<i64: 2, 16>, scalar_prefetch = 0 : i64, scratch_operands = 7 : i64, tpu.core_type = #tpu.core_type<sc_vector_subcore>, window_params = [{transform_indices = #map}, {transform_indices = #map1}, {transform_indices = #map1}, {transform_indices = #map2}]} {
    %mul3A = arith.constant 2 : i32
    %mul3A_0 = arith.muli %arg1, %mul3A : i32
    %add3A = arith.addi %mul3A_0, %arg0 : i32
    %mul3A_1 = arith.constant 200 : i32
    %mul3A_2 = arith.muli %add3A, %mul3A_1 : i32
    "tpu.region"() ({
      %run_scoped3A = tpu.sem_alloc : memref<!tpu.dma_semaphore, #tpu.memory_space<semaphore_mem>>
      tpu.enqueue_dma source(%arg4 : memref<200x32xf32, #tpu.memory_space<hbm>>) target(%arg6 : memref<200x32xf32, #tpu.memory_space<vmem>>) target_semaphore(%run_scoped3A : memref<!tpu.dma_semaphore, #tpu.memory_space<semaphore_mem>>)
      tpu.wait_dma2 semaphore(%run_scoped3A : memref<!tpu.dma_semaphore, #tpu.memory_space<semaphore_mem>>) src(%arg4 : memref<200x32xf32, #tpu.memory_space<hbm>>) dst(%arg6 : memref<200x32xf32, #tpu.memory_space<vmem>>)
      tpu.yield
    }) : () -> ()
    %iota3A = tpu.iota {dimensions = array<i32: 0>} : vector<16xi32>
    %add3A_3 = arith.constant 16 : i32
    %add3A_4 = vector.broadcast %add3A_3 : i32 to vector<16xi32>
    %add3A_5 = arith.addi %iota3A, %add3A_4 : vector<16xi32>
    %add3A_6 = arith.constant 0 : i32
    %add3A_7 = arith.addi %mul3A_2, %add3A_6 : i32
    %jit3A = arith.constant 32 : i32
    %div3A = arith.divsi %add3A_7, %jit3A : i32
    %sign3A = arith.constant 0 : i32
    %sign3A_8 = arith.cmpi sgt, %add3A_7, %sign3A : i32
    %sign3A_9 = arith.extui %sign3A_8 : i1 to i32
    %sign3A_10 = arith.constant 0 : i32
    %sign3A_11 = arith.cmpi slt, %add3A_7, %sign3A_10 : i32
    %sign3A_12 = arith.extui %sign3A_11 : i1 to i32
    %sign3A_13 = arith.subi %sign3A_9, %sign3A_12 : i32
    %sign3A_14 = arith.constant 0 : i32
    %sign3A_15 = arith.cmpi sgt, %jit3A, %sign3A_14 : i32
    %sign3A_16 = arith.extui %sign3A_15 : i1 to i32
    %sign3A_17 = arith.constant 0 : i32
    %sign3A_18 = arith.cmpi slt, %jit3A, %sign3A_17 : i32
    %sign3A_19 = arith.extui %sign3A_18 : i1 to i32
    %sign3A_20 = arith.subi %sign3A_16, %sign3A_19 : i32
    %ne3A = arith.cmpi ne, %sign3A_13, %sign3A_20 : i32
    %rem3A = arith.remsi %add3A_7, %jit3A : i32
    %ne3A_21 = arith.constant 0 : i32
    %ne3A_22 = arith.cmpi ne, %rem3A, %ne3A_21 : i32
    %and3A = arith.andi %ne3A, %ne3A_22 : i1
    %sub3A = arith.constant 1 : i32
    %sub3A_23 = arith.subi %div3A, %sub3A : i32
    %select_n3A = arith.select %and3A, %sub3A_23, %div3A : i32
    %jit3A_24 = arith.constant 32 : i32
    %eq3A = arith.constant 0 : i32
    %eq3A_25 = arith.cmpi eq, %jit3A_24, %eq3A : i32
    %jit3A_26 = arith.constant 1 : i32
    %select_n3A_27 = arith.select %eq3A_25, %jit3A_26, %jit3A_24 : i32
    %rem3A_28 = arith.remsi %add3A_7, %select_n3A_27 : i32
    %ne3A_29 = arith.constant 0 : i32
    %ne3A_30 = arith.cmpi ne, %rem3A_28, %ne3A_29 : i32
    %lt3A = arith.constant 0 : i32
    %lt3A_31 = arith.cmpi slt, %rem3A_28, %lt3A : i32
    %lt3A_32 = arith.constant 0 : i32
    %lt3A_33 = arith.cmpi slt, %select_n3A_27, %lt3A_32 : i32
    %ne3A_34 = arith.xori %lt3A_31, %lt3A_33 : i1
    %and3A_35 = arith.andi %ne3A_34, %ne3A_30 : i1
    %add3A_36 = arith.addi %rem3A_28, %select_n3A_27 : i32
    %select_n3A_37 = arith.select %and3A_35, %add3A_36, %rem3A_28 : i32
    %jit3A_38 = arith.constant 8 : i32
    %div3A_39 = arith.divsi %select_n3A, %jit3A_38 : i32
    %sign3A_40 = arith.constant 0 : i32
    %sign3A_41 = arith.cmpi sgt, %select_n3A, %sign3A_40 : i32
    %sign3A_42 = arith.extui %sign3A_41 : i1 to i32
    %sign3A_43 = arith.constant 0 : i32
    %sign3A_44 = arith.cmpi slt, %select_n3A, %sign3A_43 : i32
    %sign3A_45 = arith.extui %sign3A_44 : i1 to i32
    %sign3A_46 = arith.subi %sign3A_42, %sign3A_45 : i32
    %sign3A_47 = arith.constant 0 : i32
    %sign3A_48 = arith.cmpi sgt, %jit3A_38, %sign3A_47 : i32
    %sign3A_49 = arith.extui %sign3A_48 : i1 to i32
    %sign3A_50 = arith.constant 0 : i32
    %sign3A_51 = arith.cmpi slt, %jit3A_38, %sign3A_50 : i32
    %sign3A_52 = arith.extui %sign3A_51 : i1 to i32
    %sign3A_53 = arith.subi %sign3A_49, %sign3A_52 : i32
    %ne3A_54 = arith.cmpi ne, %sign3A_46, %sign3A_53 : i32
    %rem3A_55 = arith.remsi %select_n3A, %jit3A_38 : i32
    %ne3A_56 = arith.constant 0 : i32
    %ne3A_57 = arith.cmpi ne, %rem3A_55, %ne3A_56 : i32
    %and3A_58 = arith.andi %ne3A_54, %ne3A_57 : i1
    %sub3A_59 = arith.constant 1 : i32
    %sub3A_60 = arith.subi %div3A_39, %sub3A_59 : i32
    %select_n3A_61 = arith.select %and3A_58, %sub3A_60, %div3A_39 : i32
    %jit3A_62 = arith.constant 8 : i32
    %eq3A_63 = arith.constant 0 : i32
    %eq3A_64 = arith.cmpi eq, %jit3A_62, %eq3A_63 : i32
    %jit3A_65 = arith.constant 1 : i32
    %select_n3A_66 = arith.select %eq3A_64, %jit3A_65, %jit3A_62 : i32
    %rem3A_67 = arith.remsi %select_n3A, %select_n3A_66 : i32
    %ne3A_68 = arith.constant 0 : i32
    %ne3A_69 = arith.cmpi ne, %rem3A_67, %ne3A_68 : i32
    %lt3A_70 = arith.constant 0 : i32
    %lt3A_71 = arith.cmpi slt, %rem3A_67, %lt3A_70 : i32
    %lt3A_72 = arith.constant 0 : i32
    %lt3A_73 = arith.cmpi slt, %select_n3A_66, %lt3A_72 : i32
    %ne3A_74 = arith.xori %lt3A_71, %lt3A_73 : i1
    %and3A_75 = arith.andi %ne3A_74, %ne3A_69 : i1
    %add3A_76 = arith.addi %rem3A_67, %select_n3A_66 : i32
    %select_n3A_77 = arith.select %and3A_75, %add3A_76, %rem3A_67 : i32
    %dma_start3A = arith.constant 0 : i32
    %dma_start3A_78 = arith.constant 0 : i32
    %dma_start3A_79 = tpu.memref_slice %arg7[%dma_start3A, %dma_start3A_78] : memref<2x128xi32, #tpu.memory_space<vmem>> -> memref<1x128xi32, #tpu.memory_space<vmem>>
    %dma_start3A_80 = tpu.memref_squeeze %dma_start3A_79 : memref<1x128xi32, #tpu.memory_space<vmem>> -> memref<128xi32, #tpu.memory_space<vmem>>
    %dma_start3A_81 = arith.constant 0 : i32
    %dma_start3A_82 = tpu.memref_slice %arg2[%select_n3A_61, %select_n3A_37, %select_n3A_77, %dma_start3A_81] : memref<25x32x8x128xi32, #tpu.memory_space<hbm>> -> memref<1x1x1x128xi32, #tpu.memory_space<hbm>>
    %dma_start3A_83 = tpu.memref_squeeze %dma_start3A_82 : memref<1x1x1x128xi32, #tpu.memory_space<hbm>> -> memref<128xi32, #tpu.memory_space<hbm>>
    %dma_start3A_84 = arith.constant 0 : i32
    %dma_start3A_85 = tpu.memref_slice %arg7[%dma_start3A, %dma_start3A_84] : memref<2x128xi32, #tpu.memory_space<vmem>> -> memref<1x128xi32, #tpu.memory_space<vmem>>
    %dma_start3A_86 = tpu.memref_squeeze %dma_start3A_85 : memref<1x128xi32, #tpu.memory_space<vmem>> -> memref<128xi32, #tpu.memory_space<vmem>>
    %dma_start3A_87 = arith.constant 0 : i32
    %dma_start3A_88 = tpu.memref_slice %arg2[%select_n3A_61, %select_n3A_37, %select_n3A_77, %dma_start3A_87] : memref<25x32x8x128xi32, #tpu.memory_space<hbm>> -> memref<1x1x1x128xi32, #tpu.memory_space<hbm>>
    %dma_start3A_89 = tpu.memref_squeeze %dma_start3A_88 : memref<1x1x1x128xi32, #tpu.memory_space<hbm>> -> memref<128xi32, #tpu.memory_space<hbm>>
    tpu.enqueue_dma source(%dma_start3A_89 : memref<128xi32, #tpu.memory_space<hbm>>) target(%dma_start3A_86 : memref<128xi32, #tpu.memory_space<vmem>>) target_semaphore(%arg10 : memref<!tpu.dma_semaphore, #tpu.memory_space<semaphore_mem>>)
    %add3A_90 = arith.constant 1 : i32
    %add3A_91 = arith.addi %mul3A_2, %add3A_90 : i32
    %jit3A_92 = arith.constant 32 : i32
    %div3A_93 = arith.divsi %add3A_91, %jit3A_92 : i32
    %sign3A_94 = arith.constant 0 : i32
    %sign3A_95 = arith.cmpi sgt, %add3A_91, %sign3A_94 : i32
    %sign3A_96 = arith.extui %sign3A_95 : i1 to i32
    %sign3A_97 = arith.constant 0 : i32
    %sign3A_98 = arith.cmpi slt, %add3A_91, %sign3A_97 : i32
    %sign3A_99 = arith.extui %sign3A_98 : i1 to i32
    %sign3A_100 = arith.subi %sign3A_96, %sign3A_99 : i32
    %sign3A_101 = arith.constant 0 : i32
    %sign3A_102 = arith.cmpi sgt, %jit3A_92, %sign3A_101 : i32
    %sign3A_103 = arith.extui %sign3A_102 : i1 to i32
    %sign3A_104 = arith.constant 0 : i32
    %sign3A_105 = arith.cmpi slt, %jit3A_92, %sign3A_104 : i32
    %sign3A_106 = arith.extui %sign3A_105 : i1 to i32
    %sign3A_107 = arith.subi %sign3A_103, %sign3A_106 : i32
    %ne3A_108 = arith.cmpi ne, %sign3A_100, %sign3A_107 : i32
    %rem3A_109 = arith.remsi %add3A_91, %jit3A_92 : i32
    %ne3A_110 = arith.constant 0 : i32
    %ne3A_111 = arith.cmpi ne, %rem3A_109, %ne3A_110 : i32
    %and3A_112 = arith.andi %ne3A_108, %ne3A_111 : i1
    %sub3A_113 = arith.constant 1 : i32
    %sub3A_114 = arith.subi %div3A_93, %sub3A_113 : i32
    %select_n3A_115 = arith.select %and3A_112, %sub3A_114, %div3A_93 : i32
    %jit3A_116 = arith.constant 32 : i32
    %eq3A_117 = arith.constant 0 : i32
    %eq3A_118 = arith.cmpi eq, %jit3A_116, %eq3A_117 : i32
    %jit3A_119 = arith.constant 1 : i32
    %select_n3A_120 = arith.select %eq3A_118, %jit3A_119, %jit3A_116 : i32
    %rem3A_121 = arith.remsi %add3A_91, %select_n3A_120 : i32
    %ne3A_122 = arith.constant 0 : i32
    %ne3A_123 = arith.cmpi ne, %rem3A_121, %ne3A_122 : i32
    %lt3A_124 = arith.constant 0 : i32
    %lt3A_125 = arith.cmpi slt, %rem3A_121, %lt3A_124 : i32
    %lt3A_126 = arith.constant 0 : i32
    %lt3A_127 = arith.cmpi slt, %select_n3A_120, %lt3A_126 : i32
    %ne3A_128 = arith.xori %lt3A_125, %lt3A_127 : i1
    %and3A_129 = arith.andi %ne3A_128, %ne3A_123 : i1
    %add3A_130 = arith.addi %rem3A_121, %select_n3A_120 : i32
    %select_n3A_131 = arith.select %and3A_129, %add3A_130, %rem3A_121 : i32
    %jit3A_132 = arith.constant 8 : i32
    %div3A_133 = arith.divsi %select_n3A_115, %jit3A_132 : i32
    %sign3A_134 = arith.constant 0 : i32
    %sign3A_135 = arith.cmpi sgt, %select_n3A_115, %sign3A_134 : i32
    %sign3A_136 = arith.extui %sign3A_135 : i1 to i32
    %sign3A_137 = arith.constant 0 : i32
    %sign3A_138 = arith.cmpi slt, %select_n3A_115, %sign3A_137 : i32
    %sign3A_139 = arith.extui %sign3A_138 : i1 to i32
    %sign3A_140 = arith.subi %sign3A_136, %sign3A_139 : i32
    %sign3A_141 = arith.constant 0 : i32
    %sign3A_142 = arith.cmpi sgt, %jit3A_132, %sign3A_141 : i32
    %sign3A_143 = arith.extui %sign3A_142 : i1 to i32
    %sign3A_144 = arith.constant 0 : i32
    %sign3A_145 = arith.cmpi slt, %jit3A_132, %sign3A_144 : i32
    %sign3A_146 = arith.extui %sign3A_145 : i1 to i32
    %sign3A_147 = arith.subi %sign3A_143, %sign3A_146 : i32
    %ne3A_148 = arith.cmpi ne, %sign3A_140, %sign3A_147 : i32
    %rem3A_149 = arith.remsi %select_n3A_115, %jit3A_132 : i32
    %ne3A_150 = arith.constant 0 : i32
    %ne3A_151 = arith.cmpi ne, %rem3A_149, %ne3A_150 : i32
    %and3A_152 = arith.andi %ne3A_148, %ne3A_151 : i1
    %sub3A_153 = arith.constant 1 : i32
    %sub3A_154 = arith.subi %div3A_133, %sub3A_153 : i32
    %select_n3A_155 = arith.select %and3A_152, %sub3A_154, %div3A_133 : i32
    %jit3A_156 = arith.constant 8 : i32
    %eq3A_157 = arith.constant 0 : i32
    %eq3A_158 = arith.cmpi eq, %jit3A_156, %eq3A_157 : i32
    %jit3A_159 = arith.constant 1 : i32
    %select_n3A_160 = arith.select %eq3A_158, %jit3A_159, %jit3A_156 : i32
    %rem3A_161 = arith.remsi %select_n3A_115, %select_n3A_160 : i32
    %ne3A_162 = arith.constant 0 : i32
    %ne3A_163 = arith.cmpi ne, %rem3A_161, %ne3A_162 : i32
    %lt3A_164 = arith.constant 0 : i32
    %lt3A_165 = arith.cmpi slt, %rem3A_161, %lt3A_164 : i32
    %lt3A_166 = arith.constant 0 : i32
    %lt3A_167 = arith.cmpi slt, %select_n3A_160, %lt3A_166 : i32
    %ne3A_168 = arith.xori %lt3A_165, %lt3A_167 : i1
    %and3A_169 = arith.andi %ne3A_168, %ne3A_163 : i1
    %add3A_170 = arith.addi %rem3A_161, %select_n3A_160 : i32
    %select_n3A_171 = arith.select %and3A_169, %add3A_170, %rem3A_161 : i32
    %dma_start3A_172 = arith.constant 1 : i32
    %dma_start3A_173 = arith.constant 0 : i32
    %dma_start3A_174 = tpu.memref_slice %arg7[%dma_start3A_172, %dma_start3A_173] : memref<2x128xi32, #tpu.memory_space<vmem>> -> memref<1x128xi32, #tpu.memory_space<vmem>>
    %dma_start3A_175 = tpu.memref_squeeze %dma_start3A_174 : memref<1x128xi32, #tpu.memory_space<vmem>> -> memref<128xi32, #tpu.memory_space<vmem>>
    %dma_start3A_176 = arith.constant 0 : i32
    %dma_start3A_177 = tpu.memref_slice %arg2[%select_n3A_155, %select_n3A_131, %select_n3A_171, %dma_start3A_176] : memref<25x32x8x128xi32, #tpu.memory_space<hbm>> -> memref<1x1x1x128xi32, #tpu.memory_space<hbm>>
    %dma_start3A_178 = tpu.memref_squeeze %dma_start3A_177 : memref<1x1x1x128xi32, #tpu.memory_space<hbm>> -> memref<128xi32, #tpu.memory_space<hbm>>
    %dma_start3A_179 = arith.constant 0 : i32
    %dma_start3A_180 = tpu.memref_slice %arg7[%dma_start3A_172, %dma_start3A_179] : memref<2x128xi32, #tpu.memory_space<vmem>> -> memref<1x128xi32, #tpu.memory_space<vmem>>
    %dma_start3A_181 = tpu.memref_squeeze %dma_start3A_180 : memref<1x128xi32, #tpu.memory_space<vmem>> -> memref<128xi32, #tpu.memory_space<vmem>>
    %dma_start3A_182 = arith.constant 0 : i32
    %dma_start3A_183 = tpu.memref_slice %arg2[%select_n3A_155, %select_n3A_131, %select_n3A_171, %dma_start3A_182] : memref<25x32x8x128xi32, #tpu.memory_space<hbm>> -> memref<1x1x1x128xi32, #tpu.memory_space<hbm>>
    %dma_start3A_184 = tpu.memref_squeeze %dma_start3A_183 : memref<1x1x1x128xi32, #tpu.memory_space<hbm>> -> memref<128xi32, #tpu.memory_space<hbm>>
    tpu.enqueue_dma source(%dma_start3A_184 : memref<128xi32, #tpu.memory_space<hbm>>) target(%dma_start3A_181 : memref<128xi32, #tpu.memory_space<vmem>>) target_semaphore(%arg10 : memref<!tpu.dma_semaphore, #tpu.memory_space<semaphore_mem>>)
    %dma_wait3A = arith.constant 0 : i32
    %dma_wait3A_185 = arith.constant 0 : i32
    %dma_wait3A_186 = arith.constant 0 : i32
    %dma_wait3A_187 = arith.constant 0 : i32
    %dma_wait3A_188 = arith.constant 0 : i32
    %dma_wait3A_189 = tpu.memref_slice %arg7[%dma_wait3A_187, %dma_wait3A_188] : memref<2x128xi32, #tpu.memory_space<vmem>> -> memref<1x128xi32, #tpu.memory_space<vmem>>
    %dma_wait3A_190 = tpu.memref_squeeze %dma_wait3A_189 : memref<1x128xi32, #tpu.memory_space<vmem>> -> memref<128xi32, #tpu.memory_space<vmem>>
    %dma_wait3A_191 = arith.constant 0 : i32
    %dma_wait3A_192 = tpu.memref_slice %arg2[%dma_wait3A, %dma_wait3A_185, %dma_wait3A_186, %dma_wait3A_191] : memref<25x32x8x128xi32, #tpu.memory_space<hbm>> -> memref<1x1x1x128xi32, #tpu.memory_space<hbm>>
    %dma_wait3A_193 = tpu.memref_squeeze %dma_wait3A_192 : memref<1x1x1x128xi32, #tpu.memory_space<hbm>> -> memref<128xi32, #tpu.memory_space<hbm>>
    %dma_wait3A_194 = arith.constant 0 : i32
    %dma_wait3A_195 = tpu.memref_slice %arg7[%dma_wait3A_187, %dma_wait3A_194] : memref<2x128xi32, #tpu.memory_space<vmem>> -> memref<1x128xi32, #tpu.memory_space<vmem>>
    %dma_wait3A_196 = tpu.memref_squeeze %dma_wait3A_195 : memref<1x128xi32, #tpu.memory_space<vmem>> -> memref<128xi32, #tpu.memory_space<vmem>>
    %dma_wait3A_197 = arith.constant 0 : i32
    %dma_wait3A_198 = tpu.memref_slice %arg2[%dma_wait3A, %dma_wait3A_185, %dma_wait3A_186, %dma_wait3A_197] : memref<25x32x8x128xi32, #tpu.memory_space<hbm>> -> memref<1x1x1x128xi32, #tpu.memory_space<hbm>>
    %dma_wait3A_199 = tpu.memref_squeeze %dma_wait3A_198 : memref<1x1x1x128xi32, #tpu.memory_space<hbm>> -> memref<128xi32, #tpu.memory_space<hbm>>
    tpu.wait_dma2 semaphore(%arg10 : memref<!tpu.dma_semaphore, #tpu.memory_space<semaphore_mem>>) src(%dma_wait3A_199 : memref<128xi32, #tpu.memory_space<hbm>>) dst(%dma_wait3A_196 : memref<128xi32, #tpu.memory_space<vmem>>)
    %dma_start3A_200 = arith.constant 0 : i32
    %dma_start3A_201 = arith.constant 0 : i32
    %dma_start3A_202 = arith.constant 0 : i32
    %dma_start3A_203 = arith.constant 0 : i32
    %dma_start3A_204 = tpu.memref_slice %arg8[%dma_start3A_201, %dma_start3A_202, %dma_start3A_203] : memref<2x128x32xf32, #tpu.memory_space<vmem>> -> memref<1x128x32xf32, #tpu.memory_space<vmem>>
    %dma_start3A_205 = tpu.memref_squeeze %dma_start3A_204 : memref<1x128x32xf32, #tpu.memory_space<vmem>> -> memref<128x32xf32, #tpu.memory_space<vmem>>
    %dma_start3A_206 = arith.constant 0 : i32
    %dma_start3A_207 = tpu.memref_slice %arg7[%dma_start3A_200, %dma_start3A_206] : memref<2x128xi32, #tpu.memory_space<vmem>> -> memref<1x128xi32, #tpu.memory_space<vmem>>
    %dma_start3A_208 = tpu.memref_squeeze %dma_start3A_207 : memref<1x128xi32, #tpu.memory_space<vmem>> -> memref<128xi32, #tpu.memory_space<vmem>>
    %dma_start3A_209 = arith.constant 0 : i32
    %dma_start3A_210 = arith.constant 0 : i32
    %dma_start3A_211 = tpu.memref_slice %arg3[%dma_start3A_209, %dma_start3A_210] : memref<1000000x32xf32, #tpu.memory_space<hbm>> -> memref<1000000x32xf32, #tpu.memory_space<hbm>>
    tpu.enqueue_indirect_dma source(%dma_start3A_211 : memref<1000000x32xf32, #tpu.memory_space<hbm>>) target(%dma_start3A_205 : memref<128x32xf32, #tpu.memory_space<vmem>>) offsets(%dma_start3A_208 : memref<128xi32, #tpu.memory_space<vmem>>) semaphore(%arg11 : memref<!tpu.dma_semaphore, #tpu.memory_space<semaphore_mem>>)
    %dma_wait3A_212 = arith.constant 0 : i32
    %dma_wait3A_213 = arith.constant 0 : i32
    %dma_wait3A_214 = arith.constant 0 : i32
    %dma_wait3A_215 = arith.constant 1 : i32
    %dma_wait3A_216 = arith.constant 0 : i32
    %dma_wait3A_217 = tpu.memref_slice %arg7[%dma_wait3A_215, %dma_wait3A_216] : memref<2x128xi32, #tpu.memory_space<vmem>> -> memref<1x128xi32, #tpu.memory_space<vmem>>
    %dma_wait3A_218 = tpu.memref_squeeze %dma_wait3A_217 : memref<1x128xi32, #tpu.memory_space<vmem>> -> memref<128xi32, #tpu.memory_space<vmem>>
    %dma_wait3A_219 = arith.constant 0 : i32
    %dma_wait3A_220 = tpu.memref_slice %arg2[%dma_wait3A_212, %dma_wait3A_213, %dma_wait3A_214, %dma_wait3A_219] : memref<25x32x8x128xi32, #tpu.memory_space<hbm>> -> memref<1x1x1x128xi32, #tpu.memory_space<hbm>>
    %dma_wait3A_221 = tpu.memref_squeeze %dma_wait3A_220 : memref<1x1x1x128xi32, #tpu.memory_space<hbm>> -> memref<128xi32, #tpu.memory_space<hbm>>
    %dma_wait3A_222 = arith.constant 0 : i32
    %dma_wait3A_223 = tpu.memref_slice %arg7[%dma_wait3A_215, %dma_wait3A_222] : memref<2x128xi32, #tpu.memory_space<vmem>> -> memref<1x128xi32, #tpu.memory_space<vmem>>
    %dma_wait3A_224 = tpu.memref_squeeze %dma_wait3A_223 : memref<1x128xi32, #tpu.memory_space<vmem>> -> memref<128xi32, #tpu.memory_space<vmem>>
    %dma_wait3A_225 = arith.constant 0 : i32
    %dma_wait3A_226 = tpu.memref_slice %arg2[%dma_wait3A_212, %dma_wait3A_213, %dma_wait3A_214, %dma_wait3A_225] : memref<25x32x8x128xi32, #tpu.memory_space<hbm>> -> memref<1x1x1x128xi32, #tpu.memory_space<hbm>>
    %dma_wait3A_227 = tpu.memref_squeeze %dma_wait3A_226 : memref<1x1x1x128xi32, #tpu.memory_space<hbm>> -> memref<128xi32, #tpu.memory_space<hbm>>
    tpu.wait_dma2 semaphore(%arg10 : memref<!tpu.dma_semaphore, #tpu.memory_space<semaphore_mem>>) src(%dma_wait3A_227 : memref<128xi32, #tpu.memory_space<hbm>>) dst(%dma_wait3A_224 : memref<128xi32, #tpu.memory_space<vmem>>)
    %dma_start3A_228 = arith.constant 1 : i32
    %dma_start3A_229 = arith.constant 1 : i32
    %dma_start3A_230 = arith.constant 0 : i32
    %dma_start3A_231 = arith.constant 0 : i32
    %dma_start3A_232 = tpu.memref_slice %arg8[%dma_start3A_229, %dma_start3A_230, %dma_start3A_231] : memref<2x128x32xf32, #tpu.memory_space<vmem>> -> memref<1x128x32xf32, #tpu.memory_space<vmem>>
    %dma_start3A_233 = tpu.memref_squeeze %dma_start3A_232 : memref<1x128x32xf32, #tpu.memory_space<vmem>> -> memref<128x32xf32, #tpu.memory_space<vmem>>
    %dma_start3A_234 = arith.constant 0 : i32
    %dma_start3A_235 = tpu.memref_slice %arg7[%dma_start3A_228, %dma_start3A_234] : memref<2x128xi32, #tpu.memory_space<vmem>> -> memref<1x128xi32, #tpu.memory_space<vmem>>
    %dma_start3A_236 = tpu.memref_squeeze %dma_start3A_235 : memref<1x128xi32, #tpu.memory_space<vmem>> -> memref<128xi32, #tpu.memory_space<vmem>>
    %dma_start3A_237 = arith.constant 0 : i32
    %dma_start3A_238 = arith.constant 0 : i32
    %dma_start3A_239 = tpu.memref_slice %arg3[%dma_start3A_237, %dma_start3A_238] : memref<1000000x32xf32, #tpu.memory_space<hbm>> -> memref<1000000x32xf32, #tpu.memory_space<hbm>>
    tpu.enqueue_indirect_dma source(%dma_start3A_239 : memref<1000000x32xf32, #tpu.memory_space<hbm>>) target(%dma_start3A_233 : memref<128x32xf32, #tpu.memory_space<vmem>>) offsets(%dma_start3A_236 : memref<128xi32, #tpu.memory_space<vmem>>) semaphore(%arg11 : memref<!tpu.dma_semaphore, #tpu.memory_space<semaphore_mem>>)
    %scan3A = arith.constant 0 : i32
    %scan3A_240 = arith.constant 100 : i32
    %scan3A_241 = arith.addi %scan3A, %scan3A_240 : i32
    %scan3A_242 = arith.constant 1 : i32
    scf.for %scan3A_364 = %scan3A to %scan3A_241 step %scan3A_242  : i32 {
      %mul3A_365 = arith.constant 2 : i32
      %mul3A_366 = arith.muli %scan3A_364, %mul3A_365 : i32
      %add3A_367 = arith.constant 0 : i32
      %add3A_368 = arith.addi %add3A_367, %mul3A_366 : i32
      %add3A_369 = arith.constant 0 : i32
      %add3A_370 = arith.addi %add3A_368, %add3A_369 : i32
      %add3A_371 = arith.addi %mul3A_2, %add3A_370 : i32
      %jit3A_372 = arith.constant 32 : i32
      %div3A_373 = arith.divsi %add3A_371, %jit3A_372 : i32
      %sign3A_374 = arith.constant 0 : i32
      %sign3A_375 = arith.cmpi sgt, %add3A_371, %sign3A_374 : i32
      %sign3A_376 = arith.extui %sign3A_375 : i1 to i32
      %sign3A_377 = arith.constant 0 : i32
      %sign3A_378 = arith.cmpi slt, %add3A_371, %sign3A_377 : i32
      %sign3A_379 = arith.extui %sign3A_378 : i1 to i32
      %sign3A_380 = arith.subi %sign3A_376, %sign3A_379 : i32
      %sign3A_381 = arith.constant 0 : i32
      %sign3A_382 = arith.cmpi sgt, %jit3A_372, %sign3A_381 : i32
      %sign3A_383 = arith.extui %sign3A_382 : i1 to i32
      %sign3A_384 = arith.constant 0 : i32
      %sign3A_385 = arith.cmpi slt, %jit3A_372, %sign3A_384 : i32
      %sign3A_386 = arith.extui %sign3A_385 : i1 to i32
      %sign3A_387 = arith.subi %sign3A_383, %sign3A_386 : i32
      %ne3A_388 = arith.cmpi ne, %sign3A_380, %sign3A_387 : i32
      %rem3A_389 = arith.remsi %add3A_371, %jit3A_372 : i32
      %ne3A_390 = arith.constant 0 : i32
      %ne3A_391 = arith.cmpi ne, %rem3A_389, %ne3A_390 : i32
      %and3A_392 = arith.andi %ne3A_388, %ne3A_391 : i1
      %sub3A_393 = arith.constant 1 : i32
      %sub3A_394 = arith.subi %div3A_373, %sub3A_393 : i32
      %select_n3A_395 = arith.select %and3A_392, %sub3A_394, %div3A_373 : i32
      %jit3A_396 = arith.constant 32 : i32
      %eq3A_397 = arith.constant 0 : i32
      %eq3A_398 = arith.cmpi eq, %jit3A_396, %eq3A_397 : i32
      %jit3A_399 = arith.constant 1 : i32
      %select_n3A_400 = arith.select %eq3A_398, %jit3A_399, %jit3A_396 : i32
      %rem3A_401 = arith.remsi %add3A_371, %select_n3A_400 : i32
      %ne3A_402 = arith.constant 0 : i32
      %ne3A_403 = arith.cmpi ne, %rem3A_401, %ne3A_402 : i32
      %lt3A_404 = arith.constant 0 : i32
      %lt3A_405 = arith.cmpi slt, %rem3A_401, %lt3A_404 : i32
      %lt3A_406 = arith.constant 0 : i32
      %lt3A_407 = arith.cmpi slt, %select_n3A_400, %lt3A_406 : i32
      %ne3A_408 = arith.xori %lt3A_405, %lt3A_407 : i1
      %and3A_409 = arith.andi %ne3A_408, %ne3A_403 : i1
      %add3A_410 = arith.addi %rem3A_401, %select_n3A_400 : i32
      %select_n3A_411 = arith.select %and3A_409, %add3A_410, %rem3A_401 : i32
      %dma_wait3A_412 = arith.constant 0 : i32
      %dma_wait3A_413 = arith.constant 0 : i32
      %dma_wait3A_414 = arith.constant 0 : i32
      %dma_wait3A_415 = arith.constant 0 : i32
      %dma_wait3A_416 = tpu.memref_slice %arg8[%dma_wait3A_413, %dma_wait3A_414, %dma_wait3A_415] : memref<2x128x32xf32, #tpu.memory_space<vmem>> -> memref<1x128x32xf32, #tpu.memory_space<vmem>>
      %dma_wait3A_417 = tpu.memref_squeeze %dma_wait3A_416 : memref<1x128x32xf32, #tpu.memory_space<vmem>> -> memref<128x32xf32, #tpu.memory_space<vmem>>
      %dma_wait3A_418 = arith.constant 0 : i32
      %dma_wait3A_419 = tpu.memref_slice %arg7[%dma_wait3A_412, %dma_wait3A_418] : memref<2x128xi32, #tpu.memory_space<vmem>> -> memref<1x128xi32, #tpu.memory_space<vmem>>
      %dma_wait3A_420 = tpu.memref_squeeze %dma_wait3A_419 : memref<1x128xi32, #tpu.memory_space<vmem>> -> memref<128xi32, #tpu.memory_space<vmem>>
      %dma_wait3A_421 = arith.constant 0 : i32
      %dma_wait3A_422 = arith.constant 0 : i32
      %dma_wait3A_423 = tpu.memref_slice %arg3[%dma_wait3A_421, %dma_wait3A_422] : memref<1000000x32xf32, #tpu.memory_space<hbm>> -> memref<1000000x32xf32, #tpu.memory_space<hbm>>
      tpu.wait_indirect_dma semaphore(%arg11 : memref<!tpu.dma_semaphore, #tpu.memory_space<semaphore_mem>>) src(%dma_wait3A_423 : memref<1000000x32xf32, #tpu.memory_space<hbm>>) dst(%dma_wait3A_417 : memref<128x32xf32, #tpu.memory_space<vmem>>)
      %ge3A = arith.constant 2 : i32
      %ge3A_424 = arith.cmpi sge, %add3A_370, %ge3A : i32
      %convert_element_type3A = arith.extui %ge3A_424 : i1 to i32
      %cond3A = arith.constant 0 : i32
      %cond3A_425 = arith.constant 0 : i32
      %cond3A_426 = arith.cmpi ne, %convert_element_type3A, %cond3A_425 : i32
      scf.if %cond3A_426 {
        %dma_wait3A_714 = arith.constant 0 : i32
        %dma_wait3A_715 = arith.constant 0 : i32
        %dma_wait3A_716 = arith.constant 0 : i32
        %dma_wait3A_717 = tpu.memref_slice %arg9[%cond3A, %dma_wait3A_715, %dma_wait3A_716] : memref<2x32x129xf32, #tpu.memory_space<vmem>> -> memref<1x32x129xf32, #tpu.memory_space<vmem>>
        %dma_wait3A_718 = tpu.memref_squeeze %dma_wait3A_717 : memref<1x32x129xf32, #tpu.memory_space<vmem>> -> memref<32x129xf32, #tpu.memory_space<vmem>>
        %dma_wait3A_719 = arith.constant 0 : i32
        %dma_wait3A_720 = arith.constant 0 : i32
        %dma_wait3A_721 = tpu.memref_slice %dma_wait3A_718[%dma_wait3A_719, %dma_wait3A_720] : memref<32x129xf32, #tpu.memory_space<vmem>> -> memref<8x128xf32, #tpu.memory_space<vmem>>
        %dma_wait3A_722 = arith.constant 0 : i32
        %dma_wait3A_723 = tpu.memref_slice %arg7[%dma_wait3A_714, %dma_wait3A_722] : memref<2x128xi32, #tpu.memory_space<vmem>> -> memref<1x128xi32, #tpu.memory_space<vmem>>
        %dma_wait3A_724 = tpu.memref_squeeze %dma_wait3A_723 : memref<1x128xi32, #tpu.memory_space<vmem>> -> memref<128xi32, #tpu.memory_space<vmem>>
        %dma_wait3A_725 = arith.constant 0 : i32
        %dma_wait3A_726 = arith.constant 0 : i32
        %dma_wait3A_727 = tpu.memref_slice %arg3[%dma_wait3A_725, %dma_wait3A_726] : memref<1000000x32xf32, #tpu.memory_space<hbm>> -> memref<1000000x32xf32, #tpu.memory_space<hbm>>
        tpu.wait_indirect_dma semaphore(%arg12 : memref<!tpu.dma_semaphore, #tpu.memory_space<semaphore_mem>>) src(%dma_wait3A_727 : memref<1000000x32xf32, #tpu.memory_space<hbm>>) dst(%dma_wait3A_721 : memref<8x128xf32, #tpu.memory_space<vmem>>)
        %dma_wait3A_728 = arith.constant 0 : i32
        %dma_wait3A_729 = arith.constant 0 : i32
        %dma_wait3A_730 = arith.constant 0 : i32
        %dma_wait3A_731 = tpu.memref_slice %arg9[%cond3A, %dma_wait3A_729, %dma_wait3A_730] : memref<2x32x129xf32, #tpu.memory_space<vmem>> -> memref<1x32x129xf32, #tpu.memory_space<vmem>>
        %dma_wait3A_732 = tpu.memref_squeeze %dma_wait3A_731 : memref<1x32x129xf32, #tpu.memory_space<vmem>> -> memref<32x129xf32, #tpu.memory_space<vmem>>
        %dma_wait3A_733 = arith.constant 0 : i32
        %dma_wait3A_734 = arith.constant 0 : i32
        %dma_wait3A_735 = tpu.memref_slice %dma_wait3A_732[%dma_wait3A_733, %dma_wait3A_734] : memref<32x129xf32, #tpu.memory_space<vmem>> -> memref<8x128xf32, #tpu.memory_space<vmem>>
        %dma_wait3A_736 = arith.constant 0 : i32
        %dma_wait3A_737 = tpu.memref_slice %arg7[%dma_wait3A_728, %dma_wait3A_736] : memref<2x128xi32, #tpu.memory_space<vmem>> -> memref<1x128xi32, #tpu.memory_space<vmem>>
        %dma_wait3A_738 = tpu.memref_squeeze %dma_wait3A_737 : memref<1x128xi32, #tpu.memory_space<vmem>> -> memref<128xi32, #tpu.memory_space<vmem>>
        %dma_wait3A_739 = arith.constant 0 : i32
        %dma_wait3A_740 = arith.constant 0 : i32
        %dma_wait3A_741 = tpu.memref_slice %arg3[%dma_wait3A_739, %dma_wait3A_740] : memref<1000000x32xf32, #tpu.memory_space<hbm>> -> memref<1000000x32xf32, #tpu.memory_space<hbm>>
        tpu.wait_indirect_dma semaphore(%arg12 : memref<!tpu.dma_semaphore, #tpu.memory_space<semaphore_mem>>) src(%dma_wait3A_741 : memref<1000000x32xf32, #tpu.memory_space<hbm>>) dst(%dma_wait3A_735 : memref<8x128xf32, #tpu.memory_space<vmem>>)
        %dma_wait3A_742 = arith.constant 0 : i32
        %dma_wait3A_743 = arith.constant 0 : i32
        %dma_wait3A_744 = arith.constant 0 : i32
        %dma_wait3A_745 = tpu.memref_slice %arg9[%cond3A, %dma_wait3A_743, %dma_wait3A_744] : memref<2x32x129xf32, #tpu.memory_space<vmem>> -> memref<1x32x129xf32, #tpu.memory_space<vmem>>
        %dma_wait3A_746 = tpu.memref_squeeze %dma_wait3A_745 : memref<1x32x129xf32, #tpu.memory_space<vmem>> -> memref<32x129xf32, #tpu.memory_space<vmem>>
        %dma_wait3A_747 = arith.constant 0 : i32
        %dma_wait3A_748 = arith.constant 0 : i32
        %dma_wait3A_749 = tpu.memref_slice %dma_wait3A_746[%dma_wait3A_747, %dma_wait3A_748] : memref<32x129xf32, #tpu.memory_space<vmem>> -> memref<8x128xf32, #tpu.memory_space<vmem>>
        %dma_wait3A_750 = arith.constant 0 : i32
        %dma_wait3A_751 = tpu.memref_slice %arg7[%dma_wait3A_742, %dma_wait3A_750] : memref<2x128xi32, #tpu.memory_space<vmem>> -> memref<1x128xi32, #tpu.memory_space<vmem>>
        %dma_wait3A_752 = tpu.memref_squeeze %dma_wait3A_751 : memref<1x128xi32, #tpu.memory_space<vmem>> -> memref<128xi32, #tpu.memory_space<vmem>>
        %dma_wait3A_753 = arith.constant 0 : i32
        %dma_wait3A_754 = arith.constant 0 : i32
        %dma_wait3A_755 = tpu.memref_slice %arg3[%dma_wait3A_753, %dma_wait3A_754] : memref<1000000x32xf32, #tpu.memory_space<hbm>> -> memref<1000000x32xf32, #tpu.memory_space<hbm>>
        tpu.wait_indirect_dma semaphore(%arg12 : memref<!tpu.dma_semaphore, #tpu.memory_space<semaphore_mem>>) src(%dma_wait3A_755 : memref<1000000x32xf32, #tpu.memory_space<hbm>>) dst(%dma_wait3A_749 : memref<8x128xf32, #tpu.memory_space<vmem>>)
        %dma_wait3A_756 = arith.constant 0 : i32
        %dma_wait3A_757 = arith.constant 0 : i32
        %dma_wait3A_758 = arith.constant 0 : i32
        %dma_wait3A_759 = tpu.memref_slice %arg9[%cond3A, %dma_wait3A_757, %dma_wait3A_758] : memref<2x32x129xf32, #tpu.memory_space<vmem>> -> memref<1x32x129xf32, #tpu.memory_space<vmem>>
        %dma_wait3A_760 = tpu.memref_squeeze %dma_wait3A_759 : memref<1x32x129xf32, #tpu.memory_space<vmem>> -> memref<32x129xf32, #tpu.memory_space<vmem>>
        %dma_wait3A_761 = arith.constant 0 : i32
        %dma_wait3A_762 = arith.constant 0 : i32
        %dma_wait3A_763 = tpu.memref_slice %dma_wait3A_760[%dma_wait3A_761, %dma_wait3A_762] : memref<32x129xf32, #tpu.memory_space<vmem>> -> memref<8x128xf32, #tpu.memory_space<vmem>>
        %dma_wait3A_764 = arith.constant 0 : i32
        %dma_wait3A_765 = tpu.memref_slice %arg7[%dma_wait3A_756, %dma_wait3A_764] : memref<2x128xi32, #tpu.memory_space<vmem>> -> memref<1x128xi32, #tpu.memory_space<vmem>>
        %dma_wait3A_766 = tpu.memref_squeeze %dma_wait3A_765 : memref<1x128xi32, #tpu.memory_space<vmem>> -> memref<128xi32, #tpu.memory_space<vmem>>
        %dma_wait3A_767 = arith.constant 0 : i32
        %dma_wait3A_768 = arith.constant 0 : i32
        %dma_wait3A_769 = tpu.memref_slice %arg3[%dma_wait3A_767, %dma_wait3A_768] : memref<1000000x32xf32, #tpu.memory_space<hbm>> -> memref<1000000x32xf32, #tpu.memory_space<hbm>>
        tpu.wait_indirect_dma semaphore(%arg12 : memref<!tpu.dma_semaphore, #tpu.memory_space<semaphore_mem>>) src(%dma_wait3A_769 : memref<1000000x32xf32, #tpu.memory_space<hbm>>) dst(%dma_wait3A_763 : memref<8x128xf32, #tpu.memory_space<vmem>>)
      } else {
      }
      %get3A = arith.index_cast %select_n3A_395 : i32 to index
      %get3A_427 = arith.constant 0 : index
      %get3A_428 = tpu.vector_load %arg6[%get3A, %get3A_427] {strides = array<i32>} : memref<200x32xf32, #tpu.memory_space<vmem>>, vector<16xf32>,
      %get3A_429 = arith.index_cast %select_n3A_395 : i32 to index
      %get3A_430 = arith.constant 16 : index
      %get3A_431 = tpu.vector_load %arg6[%get3A_429, %get3A_430] {strides = array<i32>} : memref<200x32xf32, #tpu.memory_space<vmem>>, vector<16xf32>,
      %parallel_loop3A = arith.constant 0 : i32
      %parallel_loop3A_432 = arith.constant 128 : i32
      %parallel_loop3A_433 = arith.constant 1 : i32
      %parallel_loop3A_434 = arith.constant 0 : i32
      %parallel_loop3A_435 = arith.constant 0 : i32
      scf.for %parallel_loop3A_714 = %parallel_loop3A to %parallel_loop3A_432 step %parallel_loop3A_433  : i32 {
        %parallel_loop3A_715 = vector.broadcast %parallel_loop3A_714 : i32 to vector<16xi32>
        %parallel_loop3A_716 = arith.constant 0 : i32
        %parallel_loop3A_717 = arith.constant 0 : i32
        %parallel_loop3A_718 = tpu.memref_slice %arg8[%parallel_loop3A_434, %parallel_loop3A_716, %parallel_loop3A_717] : memref<2x128x32xf32, #tpu.memory_space<vmem>> -> memref<1x128x32xf32, #tpu.memory_space<vmem>>
        %parallel_loop3A_719 = tpu.memref_squeeze %parallel_loop3A_718 : memref<1x128x32xf32, #tpu.memory_space<vmem>> -> memref<128x32xf32, #tpu.memory_space<vmem>>
        %parallel_loop3A_720 = arith.index_cast %parallel_loop3A_714 : i32 to index
        %parallel_loop3A_721 = arith.constant 0 : index
        %parallel_loop3A_722 = tpu.vector_load %parallel_loop3A_719[%parallel_loop3A_720, %parallel_loop3A_721] {strides = array<i32>} : memref<128x32xf32, #tpu.memory_space<vmem>>, vector<16xf32>,
        %parallel_loop3A_723 = arith.addf %parallel_loop3A_722, %get3A_428 : vector<16xf32>
        %parallel_loop3A_724 = arith.constant 0 : i32
        %parallel_loop3A_725 = arith.constant 0 : i32
        %parallel_loop3A_726 = tpu.memref_slice %arg8[%parallel_loop3A_434, %parallel_loop3A_724, %parallel_loop3A_725] : memref<2x128x32xf32, #tpu.memory_space<vmem>> -> memref<1x128x32xf32, #tpu.memory_space<vmem>>
        %parallel_loop3A_727 = tpu.memref_squeeze %parallel_loop3A_726 : memref<1x128x32xf32, #tpu.memory_space<vmem>> -> memref<128x32xf32, #tpu.memory_space<vmem>>
        %parallel_loop3A_728 = arith.index_cast %parallel_loop3A_714 : i32 to index
        %parallel_loop3A_729 = arith.constant 16 : index
        %parallel_loop3A_730 = tpu.vector_load %parallel_loop3A_727[%parallel_loop3A_728, %parallel_loop3A_729] {strides = array<i32>} : memref<128x32xf32, #tpu.memory_space<vmem>>, vector<16xf32>,
        %parallel_loop3A_731 = arith.addf %parallel_loop3A_730, %get3A_431 : vector<16xf32>
        %parallel_loop3A_732 = arith.constant 0 : i32
        %parallel_loop3A_733 = arith.constant 0 : i32
        %parallel_loop3A_734 = tpu.memref_slice %arg9[%parallel_loop3A_435, %parallel_loop3A_732, %parallel_loop3A_733] : memref<2x32x129xf32, #tpu.memory_space<vmem>> -> memref<1x32x129xf32, #tpu.memory_space<vmem>>
        %parallel_loop3A_735 = tpu.memref_squeeze %parallel_loop3A_734 : memref<1x32x129xf32, #tpu.memory_space<vmem>> -> memref<32x129xf32, #tpu.memory_space<vmem>>
        tpu.vector_store_idx %parallel_loop3A_735[%iota3A, %parallel_loop3A_715], %parallel_loop3A_723 : memref<32x129xf32, #tpu.memory_space<vmem>>[vector<16xi32>, vector<16xi32>], vector<16xf32>,
        %parallel_loop3A_736 = arith.constant 0 : i32
        %parallel_loop3A_737 = arith.constant 0 : i32
        %parallel_loop3A_738 = tpu.memref_slice %arg9[%parallel_loop3A_435, %parallel_loop3A_736, %parallel_loop3A_737] : memref<2x32x129xf32, #tpu.memory_space<vmem>> -> memref<1x32x129xf32, #tpu.memory_space<vmem>>
        %parallel_loop3A_739 = tpu.memref_squeeze %parallel_loop3A_738 : memref<1x32x129xf32, #tpu.memory_space<vmem>> -> memref<32x129xf32, #tpu.memory_space<vmem>>
        tpu.vector_store_idx %parallel_loop3A_739[%add3A_5, %parallel_loop3A_715], %parallel_loop3A_731 : memref<32x129xf32, #tpu.memory_space<vmem>>[vector<16xi32>, vector<16xi32>], vector<16xf32>,
      } {sc.loop_unroll_factor = 8 : i64, sc.parallel_access}
      %dma_start3A_436 = arith.constant 0 : i32
      %dma_start3A_437 = arith.constant 0 : i32
      %dma_start3A_438 = arith.constant 0 : i32
      %dma_start3A_439 = arith.constant 0 : i32
      %dma_start3A_440 = tpu.memref_slice %arg9[%dma_start3A_436, %dma_start3A_438, %dma_start3A_439] : memref<2x32x129xf32, #tpu.memory_space<vmem>> -> memref<1x32x129xf32, #tpu.memory_space<vmem>>
      %dma_start3A_441 = tpu.memref_squeeze %dma_start3A_440 : memref<1x32x129xf32, #tpu.memory_space<vmem>> -> memref<32x129xf32, #tpu.memory_space<vmem>>
      %dma_start3A_442 = arith.constant 0 : i32
      %dma_start3A_443 = arith.constant 0 : i32
      %dma_start3A_444 = tpu.memref_slice %dma_start3A_441[%dma_start3A_442, %dma_start3A_443] : memref<32x129xf32, #tpu.memory_space<vmem>> -> memref<8x128xf32, #tpu.memory_space<vmem>>
      %dma_start3A_445 = arith.constant 0 : i32
      %dma_start3A_446 = arith.constant 0 : i32
      %dma_start3A_447 = tpu.memref_slice %arg5[%select_n3A_395, %dma_start3A_437, %select_n3A_411, %dma_start3A_445, %dma_start3A_446] : memref<200x4x32x8x128xf32, #tpu.memory_space<hbm>> -> memref<1x1x1x8x128xf32, #tpu.memory_space<hbm>>
      %dma_start3A_448 = tpu.memref_squeeze %dma_start3A_447 : memref<1x1x1x8x128xf32, #tpu.memory_space<hbm>> -> memref<8x128xf32, #tpu.memory_space<hbm>>
      %dma_start3A_449 = arith.constant 0 : i32
      %dma_start3A_450 = arith.constant 0 : i32
      %dma_start3A_451 = tpu.memref_slice %arg5[%select_n3A_395, %dma_start3A_437, %select_n3A_411, %dma_start3A_449, %dma_start3A_450] : memref<200x4x32x8x128xf32, #tpu.memory_space<hbm>> -> memref<1x1x1x8x128xf32, #tpu.memory_space<hbm>>
      %dma_start3A_452 = tpu.memref_squeeze %dma_start3A_451 : memref<1x1x1x8x128xf32, #tpu.memory_space<hbm>> -> memref<8x128xf32, #tpu.memory_space<hbm>>
      %dma_start3A_453 = arith.constant 0 : i32
      %dma_start3A_454 = arith.constant 0 : i32
      %dma_start3A_455 = tpu.memref_slice %arg9[%dma_start3A_436, %dma_start3A_453, %dma_start3A_454] : memref<2x32x129xf32, #tpu.memory_space<vmem>> -> memref<1x32x129xf32, #tpu.memory_space<vmem>>
      %dma_start3A_456 = tpu.memref_squeeze %dma_start3A_455 : memref<1x32x129xf32, #tpu.memory_space<vmem>> -> memref<32x129xf32, #tpu.memory_space<vmem>>
      %dma_start3A_457 = arith.constant 0 : i32
      %dma_start3A_458 = arith.constant 0 : i32
      %dma_start3A_459 = tpu.memref_slice %dma_start3A_456[%dma_start3A_457, %dma_start3A_458] : memref<32x129xf32, #tpu.memory_space<vmem>> -> memref<8x128xf32, #tpu.memory_space<vmem>>
      tpu.enqueue_dma source(%dma_start3A_459 : memref<8x128xf32, #tpu.memory_space<vmem>>) target(%dma_start3A_452 : memref<8x128xf32, #tpu.memory_space<hbm>>) target_semaphore(%arg12 : memref<!tpu.dma_semaphore, #tpu.memory_space<semaphore_mem>>)
      %dma_start3A_460 = arith.constant 0 : i32
      %dma_start3A_461 = arith.constant 1 : i32
      %dma_start3A_462 = arith.constant 0 : i32
      %dma_start3A_463 = arith.constant 0 : i32
      %dma_start3A_464 = tpu.memref_slice %arg9[%dma_start3A_460, %dma_start3A_462, %dma_start3A_463] : memref<2x32x129xf32, #tpu.memory_space<vmem>> -> memref<1x32x129xf32, #tpu.memory_space<vmem>>
      %dma_start3A_465 = tpu.memref_squeeze %dma_start3A_464 : memref<1x32x129xf32, #tpu.memory_space<vmem>> -> memref<32x129xf32, #tpu.memory_space<vmem>>
      %dma_start3A_466 = arith.constant 8 : i32
      %dma_start3A_467 = arith.constant 0 : i32
      %dma_start3A_468 = tpu.memref_slice %dma_start3A_465[%dma_start3A_466, %dma_start3A_467] : memref<32x129xf32, #tpu.memory_space<vmem>> -> memref<8x128xf32, #tpu.memory_space<vmem>>
      %dma_start3A_469 = arith.constant 0 : i32
      %dma_start3A_470 = arith.constant 0 : i32
      %dma_start3A_471 = tpu.memref_slice %arg5[%select_n3A_395, %dma_start3A_461, %select_n3A_411, %dma_start3A_469, %dma_start3A_470] : memref<200x4x32x8x128xf32, #tpu.memory_space<hbm>> -> memref<1x1x1x8x128xf32, #tpu.memory_space<hbm>>
      %dma_start3A_472 = tpu.memref_squeeze %dma_start3A_471 : memref<1x1x1x8x128xf32, #tpu.memory_space<hbm>> -> memref<8x128xf32, #tpu.memory_space<hbm>>
      %dma_start3A_473 = arith.constant 0 : i32
      %dma_start3A_474 = arith.constant 0 : i32
      %dma_start3A_475 = tpu.memref_slice %arg5[%select_n3A_395, %dma_start3A_461, %select_n3A_411, %dma_start3A_473, %dma_start3A_474] : memref<200x4x32x8x128xf32, #tpu.memory_space<hbm>> -> memref<1x1x1x8x128xf32, #tpu.memory_space<hbm>>
      %dma_start3A_476 = tpu.memref_squeeze %dma_start3A_475 : memref<1x1x1x8x128xf32, #tpu.memory_space<hbm>> -> memref<8x128xf32, #tpu.memory_space<hbm>>
      %dma_start3A_477 = arith.constant 0 : i32
      %dma_start3A_478 = arith.constant 0 : i32
      %dma_start3A_479 = tpu.memref_slice %arg9[%dma_start3A_460, %dma_start3A_477, %dma_start3A_478] : memref<2x32x129xf32, #tpu.memory_space<vmem>> -> memref<1x32x129xf32, #tpu.memory_space<vmem>>
      %dma_start3A_480 = tpu.memref_squeeze %dma_start3A_479 : memref<1x32x129xf32, #tpu.memory_space<vmem>> -> memref<32x129xf32, #tpu.memory_space<vmem>>
      %dma_start3A_481 = arith.constant 8 : i32
      %dma_start3A_482 = arith.constant 0 : i32
      %dma_start3A_483 = tpu.memref_slice %dma_start3A_480[%dma_start3A_481, %dma_start3A_482] : memref<32x129xf32, #tpu.memory_space<vmem>> -> memref<8x128xf32, #tpu.memory_space<vmem>>
      tpu.enqueue_dma source(%dma_start3A_483 : memref<8x128xf32, #tpu.memory_space<vmem>>) target(%dma_start3A_476 : memref<8x128xf32, #tpu.memory_space<hbm>>) target_semaphore(%arg12 : memref<!tpu.dma_semaphore, #tpu.memory_space<semaphore_mem>>)
      %dma_start3A_484 = arith.constant 0 : i32
      %dma_start3A_485 = arith.constant 2 : i32
      %dma_start3A_486 = arith.constant 0 : i32
      %dma_start3A_487 = arith.constant 0 : i32
      %dma_start3A_488 = tpu.memref_slice %arg9[%dma_start3A_484, %dma_start3A_486, %dma_start3A_487] : memref<2x32x129xf32, #tpu.memory_space<vmem>> -> memref<1x32x129xf32, #tpu.memory_space<vmem>>
      %dma_start3A_489 = tpu.memref_squeeze %dma_start3A_488 : memref<1x32x129xf32, #tpu.memory_space<vmem>> -> memref<32x129xf32, #tpu.memory_space<vmem>>
      %dma_start3A_490 = arith.constant 16 : i32
      %dma_start3A_491 = arith.constant 0 : i32
      %dma_start3A_492 = tpu.memref_slice %dma_start3A_489[%dma_start3A_490, %dma_start3A_491] : memref<32x129xf32, #tpu.memory_space<vmem>> -> memref<8x128xf32, #tpu.memory_space<vmem>>
      %dma_start3A_493 = arith.constant 0 : i32
      %dma_start3A_494 = arith.constant 0 : i32
      %dma_start3A_495 = tpu.memref_slice %arg5[%select_n3A_395, %dma_start3A_485, %select_n3A_411, %dma_start3A_493, %dma_start3A_494] : memref<200x4x32x8x128xf32, #tpu.memory_space<hbm>> -> memref<1x1x1x8x128xf32, #tpu.memory_space<hbm>>
      %dma_start3A_496 = tpu.memref_squeeze %dma_start3A_495 : memref<1x1x1x8x128xf32, #tpu.memory_space<hbm>> -> memref<8x128xf32, #tpu.memory_space<hbm>>
      %dma_start3A_497 = arith.constant 0 : i32
      %dma_start3A_498 = arith.constant 0 : i32
      %dma_start3A_499 = tpu.memref_slice %arg5[%select_n3A_395, %dma_start3A_485, %select_n3A_411, %dma_start3A_497, %dma_start3A_498] : memref<200x4x32x8x128xf32, #tpu.memory_space<hbm>> -> memref<1x1x1x8x128xf32, #tpu.memory_space<hbm>>
      %dma_start3A_500 = tpu.memref_squeeze %dma_start3A_499 : memref<1x1x1x8x128xf32, #tpu.memory_space<hbm>> -> memref<8x128xf32, #tpu.memory_space<hbm>>
      %dma_start3A_501 = arith.constant 0 : i32
      %dma_start3A_502 = arith.constant 0 : i32
      %dma_start3A_503 = tpu.memref_slice %arg9[%dma_start3A_484, %dma_start3A_501, %dma_start3A_502] : memref<2x32x129xf32, #tpu.memory_space<vmem>> -> memref<1x32x129xf32, #tpu.memory_space<vmem>>
      %dma_start3A_504 = tpu.memref_squeeze %dma_start3A_503 : memref<1x32x129xf32, #tpu.memory_space<vmem>> -> memref<32x129xf32, #tpu.memory_space<vmem>>
      %dma_start3A_505 = arith.constant 16 : i32
      %dma_start3A_506 = arith.constant 0 : i32
      %dma_start3A_507 = tpu.memref_slice %dma_start3A_504[%dma_start3A_505, %dma_start3A_506] : memref<32x129xf32, #tpu.memory_space<vmem>> -> memref<8x128xf32, #tpu.memory_space<vmem>>
      tpu.enqueue_dma source(%dma_start3A_507 : memref<8x128xf32, #tpu.memory_space<vmem>>) target(%dma_start3A_500 : memref<8x128xf32, #tpu.memory_space<hbm>>) target_semaphore(%arg12 : memref<!tpu.dma_semaphore, #tpu.memory_space<semaphore_mem>>)
      %dma_start3A_508 = arith.constant 0 : i32
      %dma_start3A_509 = arith.constant 3 : i32
      %dma_start3A_510 = arith.constant 0 : i32
      %dma_start3A_511 = arith.constant 0 : i32
      %dma_start3A_512 = tpu.memref_slice %arg9[%dma_start3A_508, %dma_start3A_510, %dma_start3A_511] : memref<2x32x129xf32, #tpu.memory_space<vmem>> -> memref<1x32x129xf32, #tpu.memory_space<vmem>>
      %dma_start3A_513 = tpu.memref_squeeze %dma_start3A_512 : memref<1x32x129xf32, #tpu.memory_space<vmem>> -> memref<32x129xf32, #tpu.memory_space<vmem>>
      %dma_start3A_514 = arith.constant 24 : i32
      %dma_start3A_515 = arith.constant 0 : i32
      %dma_start3A_516 = tpu.memref_slice %dma_start3A_513[%dma_start3A_514, %dma_start3A_515] : memref<32x129xf32, #tpu.memory_space<vmem>> -> memref<8x128xf32, #tpu.memory_space<vmem>>
      %dma_start3A_517 = arith.constant 0 : i32
      %dma_start3A_518 = arith.constant 0 : i32
      %dma_start3A_519 = tpu.memref_slice %arg5[%select_n3A_395, %dma_start3A_509, %select_n3A_411, %dma_start3A_517, %dma_start3A_518] : memref<200x4x32x8x128xf32, #tpu.memory_space<hbm>> -> memref<1x1x1x8x128xf32, #tpu.memory_space<hbm>>
      %dma_start3A_520 = tpu.memref_squeeze %dma_start3A_519 : memref<1x1x1x8x128xf32, #tpu.memory_space<hbm>> -> memref<8x128xf32, #tpu.memory_space<hbm>>
      %dma_start3A_521 = arith.constant 0 : i32
      %dma_start3A_522 = arith.constant 0 : i32
      %dma_start3A_523 = tpu.memref_slice %arg5[%select_n3A_395, %dma_start3A_509, %select_n3A_411, %dma_start3A_521, %dma_start3A_522] : memref<200x4x32x8x128xf32, #tpu.memory_space<hbm>> -> memref<1x1x1x8x128xf32, #tpu.memory_space<hbm>>
      %dma_start3A_524 = tpu.memref_squeeze %dma_start3A_523 : memref<1x1x1x8x128xf32, #tpu.memory_space<hbm>> -> memref<8x128xf32, #tpu.memory_space<hbm>>
      %dma_start3A_525 = arith.constant 0 : i32
      %dma_start3A_526 = arith.constant 0 : i32
      %dma_start3A_527 = tpu.memref_slice %arg9[%dma_start3A_508, %dma_start3A_525, %dma_start3A_526] : memref<2x32x129xf32, #tpu.memory_space<vmem>> -> memref<1x32x129xf32, #tpu.memory_space<vmem>>
      %dma_start3A_528 = tpu.memref_squeeze %dma_start3A_527 : memref<1x32x129xf32, #tpu.memory_space<vmem>> -> memref<32x129xf32, #tpu.memory_space<vmem>>
      %dma_start3A_529 = arith.constant 24 : i32
      %dma_start3A_530 = arith.constant 0 : i32
      %dma_start3A_531 = tpu.memref_slice %dma_start3A_528[%dma_start3A_529, %dma_start3A_530] : memref<32x129xf32, #tpu.memory_space<vmem>> -> memref<8x128xf32, #tpu.memory_space<vmem>>
      tpu.enqueue_dma source(%dma_start3A_531 : memref<8x128xf32, #tpu.memory_space<vmem>>) target(%dma_start3A_524 : memref<8x128xf32, #tpu.memory_space<hbm>>) target_semaphore(%arg12 : memref<!tpu.dma_semaphore, #tpu.memory_space<semaphore_mem>>)
      %add3A_532 = arith.constant 2 : i32
      %add3A_533 = arith.addi %add3A_370, %add3A_532 : i32
      %lt3A_534 = arith.constant 200 : i32
      %lt3A_535 = arith.cmpi slt, %add3A_533, %lt3A_534 : i32
      %convert_element_type3A_536 = arith.extui %lt3A_535 : i1 to i32
      %cond3A_537 = arith.constant 0 : i32
      %cond3A_538 = arith.cmpi ne, %convert_element_type3A_536, %cond3A_537 : i32
      scf.if %cond3A_538 {
        %add3A_714 = arith.constant 2 : i32
        %add3A_715 = arith.addi %add3A_370, %add3A_714 : i32
        %add3A_716 = arith.addi %mul3A_2, %add3A_715 : i32
        %jit3A_717 = arith.constant 32 : i32
        %div3A_718 = arith.divsi %add3A_716, %jit3A_717 : i32
        %sign3A_719 = arith.constant 0 : i32
        %sign3A_720 = arith.cmpi sgt, %add3A_716, %sign3A_719 : i32
        %sign3A_721 = arith.extui %sign3A_720 : i1 to i32
        %sign3A_722 = arith.constant 0 : i32
        %sign3A_723 = arith.cmpi slt, %add3A_716, %sign3A_722 : i32
        %sign3A_724 = arith.extui %sign3A_723 : i1 to i32
        %sign3A_725 = arith.subi %sign3A_721, %sign3A_724 : i32
        %sign3A_726 = arith.constant 0 : i32
        %sign3A_727 = arith.cmpi sgt, %jit3A_717, %sign3A_726 : i32
        %sign3A_728 = arith.extui %sign3A_727 : i1 to i32
        %sign3A_729 = arith.constant 0 : i32
        %sign3A_730 = arith.cmpi slt, %jit3A_717, %sign3A_729 : i32
        %sign3A_731 = arith.extui %sign3A_730 : i1 to i32
        %sign3A_732 = arith.subi %sign3A_728, %sign3A_731 : i32
        %ne3A_733 = arith.cmpi ne, %sign3A_725, %sign3A_732 : i32
        %rem3A_734 = arith.remsi %add3A_716, %jit3A_717 : i32
        %ne3A_735 = arith.constant 0 : i32
        %ne3A_736 = arith.cmpi ne, %rem3A_734, %ne3A_735 : i32
        %and3A_737 = arith.andi %ne3A_733, %ne3A_736 : i1
        %sub3A_738 = arith.constant 1 : i32
        %sub3A_739 = arith.subi %div3A_718, %sub3A_738 : i32
        %select_n3A_740 = arith.select %and3A_737, %sub3A_739, %div3A_718 : i32
        %jit3A_741 = arith.constant 32 : i32
        %eq3A_742 = arith.constant 0 : i32
        %eq3A_743 = arith.cmpi eq, %jit3A_741, %eq3A_742 : i32
        %jit3A_744 = arith.constant 1 : i32
        %select_n3A_745 = arith.select %eq3A_743, %jit3A_744, %jit3A_741 : i32
        %rem3A_746 = arith.remsi %add3A_716, %select_n3A_745 : i32
        %ne3A_747 = arith.constant 0 : i32
        %ne3A_748 = arith.cmpi ne, %rem3A_746, %ne3A_747 : i32
        %lt3A_749 = arith.constant 0 : i32
        %lt3A_750 = arith.cmpi slt, %rem3A_746, %lt3A_749 : i32
        %lt3A_751 = arith.constant 0 : i32
        %lt3A_752 = arith.cmpi slt, %select_n3A_745, %lt3A_751 : i32
        %ne3A_753 = arith.xori %lt3A_750, %lt3A_752 : i1
        %and3A_754 = arith.andi %ne3A_753, %ne3A_748 : i1
        %add3A_755 = arith.addi %rem3A_746, %select_n3A_745 : i32
        %select_n3A_756 = arith.select %and3A_754, %add3A_755, %rem3A_746 : i32
        %jit3A_757 = arith.constant 8 : i32
        %div3A_758 = arith.divsi %select_n3A_740, %jit3A_757 : i32
        %sign3A_759 = arith.constant 0 : i32
        %sign3A_760 = arith.cmpi sgt, %select_n3A_740, %sign3A_759 : i32
        %sign3A_761 = arith.extui %sign3A_760 : i1 to i32
        %sign3A_762 = arith.constant 0 : i32
        %sign3A_763 = arith.cmpi slt, %select_n3A_740, %sign3A_762 : i32
        %sign3A_764 = arith.extui %sign3A_763 : i1 to i32
        %sign3A_765 = arith.subi %sign3A_761, %sign3A_764 : i32
        %sign3A_766 = arith.constant 0 : i32
        %sign3A_767 = arith.cmpi sgt, %jit3A_757, %sign3A_766 : i32
        %sign3A_768 = arith.extui %sign3A_767 : i1 to i32
        %sign3A_769 = arith.constant 0 : i32
        %sign3A_770 = arith.cmpi slt, %jit3A_757, %sign3A_769 : i32
        %sign3A_771 = arith.extui %sign3A_770 : i1 to i32
        %sign3A_772 = arith.subi %sign3A_768, %sign3A_771 : i32
        %ne3A_773 = arith.cmpi ne, %sign3A_765, %sign3A_772 : i32
        %rem3A_774 = arith.remsi %select_n3A_740, %jit3A_757 : i32
        %ne3A_775 = arith.constant 0 : i32
        %ne3A_776 = arith.cmpi ne, %rem3A_774, %ne3A_775 : i32
        %and3A_777 = arith.andi %ne3A_773, %ne3A_776 : i1
        %sub3A_778 = arith.constant 1 : i32
        %sub3A_779 = arith.subi %div3A_758, %sub3A_778 : i32
        %select_n3A_780 = arith.select %and3A_777, %sub3A_779, %div3A_758 : i32
        %jit3A_781 = arith.constant 8 : i32
        %eq3A_782 = arith.constant 0 : i32
        %eq3A_783 = arith.cmpi eq, %jit3A_781, %eq3A_782 : i32
        %jit3A_784 = arith.constant 1 : i32
        %select_n3A_785 = arith.select %eq3A_783, %jit3A_784, %jit3A_781 : i32
        %rem3A_786 = arith.remsi %select_n3A_740, %select_n3A_785 : i32
        %ne3A_787 = arith.constant 0 : i32
        %ne3A_788 = arith.cmpi ne, %rem3A_786, %ne3A_787 : i32
        %lt3A_789 = arith.constant 0 : i32
        %lt3A_790 = arith.cmpi slt, %rem3A_786, %lt3A_789 : i32
        %lt3A_791 = arith.constant 0 : i32
        %lt3A_792 = arith.cmpi slt, %select_n3A_785, %lt3A_791 : i32
        %ne3A_793 = arith.xori %lt3A_790, %lt3A_792 : i1
        %and3A_794 = arith.andi %ne3A_793, %ne3A_788 : i1
        %add3A_795 = arith.addi %rem3A_786, %select_n3A_785 : i32
        %select_n3A_796 = arith.select %and3A_794, %add3A_795, %rem3A_786 : i32
        %dma_start3A_797 = arith.constant 0 : i32
        %dma_start3A_798 = arith.constant 0 : i32
        %dma_start3A_799 = tpu.memref_slice %arg7[%dma_start3A_797, %dma_start3A_798] : memref<2x128xi32, #tpu.memory_space<vmem>> -> memref<1x128xi32, #tpu.memory_space<vmem>>
        %dma_start3A_800 = tpu.memref_squeeze %dma_start3A_799 : memref<1x128xi32, #tpu.memory_space<vmem>> -> memref<128xi32, #tpu.memory_space<vmem>>
        %dma_start3A_801 = arith.constant 0 : i32
        %dma_start3A_802 = tpu.memref_slice %arg2[%select_n3A_780, %select_n3A_756, %select_n3A_796, %dma_start3A_801] : memref<25x32x8x128xi32, #tpu.memory_space<hbm>> -> memref<1x1x1x128xi32, #tpu.memory_space<hbm>>
        %dma_start3A_803 = tpu.memref_squeeze %dma_start3A_802 : memref<1x1x1x128xi32, #tpu.memory_space<hbm>> -> memref<128xi32, #tpu.memory_space<hbm>>
        %dma_start3A_804 = arith.constant 0 : i32
        %dma_start3A_805 = tpu.memref_slice %arg7[%dma_start3A_797, %dma_start3A_804] : memref<2x128xi32, #tpu.memory_space<vmem>> -> memref<1x128xi32, #tpu.memory_space<vmem>>
        %dma_start3A_806 = tpu.memref_squeeze %dma_start3A_805 : memref<1x128xi32, #tpu.memory_space<vmem>> -> memref<128xi32, #tpu.memory_space<vmem>>
        %dma_start3A_807 = arith.constant 0 : i32
        %dma_start3A_808 = tpu.memref_slice %arg2[%select_n3A_780, %select_n3A_756, %select_n3A_796, %dma_start3A_807] : memref<25x32x8x128xi32, #tpu.memory_space<hbm>> -> memref<1x1x1x128xi32, #tpu.memory_space<hbm>>
        %dma_start3A_809 = tpu.memref_squeeze %dma_start3A_808 : memref<1x1x1x128xi32, #tpu.memory_space<hbm>> -> memref<128xi32, #tpu.memory_space<hbm>>
        tpu.enqueue_dma source(%dma_start3A_809 : memref<128xi32, #tpu.memory_space<hbm>>) target(%dma_start3A_806 : memref<128xi32, #tpu.memory_space<vmem>>) target_semaphore(%arg10 : memref<!tpu.dma_semaphore, #tpu.memory_space<semaphore_mem>>)
        %dma_wait3A_810 = arith.constant 0 : i32
        %dma_wait3A_811 = arith.constant 0 : i32
        %dma_wait3A_812 = arith.constant 0 : i32
        %dma_wait3A_813 = arith.constant 0 : i32
        %dma_wait3A_814 = arith.constant 0 : i32
        %dma_wait3A_815 = tpu.memref_slice %arg7[%dma_wait3A_813, %dma_wait3A_814] : memref<2x128xi32, #tpu.memory_space<vmem>> -> memref<1x128xi32, #tpu.memory_space<vmem>>
        %dma_wait3A_816 = tpu.memref_squeeze %dma_wait3A_815 : memref<1x128xi32, #tpu.memory_space<vmem>> -> memref<128xi32, #tpu.memory_space<vmem>>
        %dma_wait3A_817 = arith.constant 0 : i32
        %dma_wait3A_818 = tpu.memref_slice %arg2[%dma_wait3A_810, %dma_wait3A_811, %dma_wait3A_812, %dma_wait3A_817] : memref<25x32x8x128xi32, #tpu.memory_space<hbm>> -> memref<1x1x1x128xi32, #tpu.memory_space<hbm>>
        %dma_wait3A_819 = tpu.memref_squeeze %dma_wait3A_818 : memref<1x1x1x128xi32, #tpu.memory_space<hbm>> -> memref<128xi32, #tpu.memory_space<hbm>>
        %dma_wait3A_820 = arith.constant 0 : i32
        %dma_wait3A_821 = tpu.memref_slice %arg7[%dma_wait3A_813, %dma_wait3A_820] : memref<2x128xi32, #tpu.memory_space<vmem>> -> memref<1x128xi32, #tpu.memory_space<vmem>>
        %dma_wait3A_822 = tpu.memref_squeeze %dma_wait3A_821 : memref<1x128xi32, #tpu.memory_space<vmem>> -> memref<128xi32, #tpu.memory_space<vmem>>
        %dma_wait3A_823 = arith.constant 0 : i32
        %dma_wait3A_824 = tpu.memref_slice %arg2[%dma_wait3A_810, %dma_wait3A_811, %dma_wait3A_812, %dma_wait3A_823] : memref<25x32x8x128xi32, #tpu.memory_space<hbm>> -> memref<1x1x1x128xi32, #tpu.memory_space<hbm>>
        %dma_wait3A_825 = tpu.memref_squeeze %dma_wait3A_824 : memref<1x1x1x128xi32, #tpu.memory_space<hbm>> -> memref<128xi32, #tpu.memory_space<hbm>>
        tpu.wait_dma2 semaphore(%arg10 : memref<!tpu.dma_semaphore, #tpu.memory_space<semaphore_mem>>) src(%dma_wait3A_825 : memref<128xi32, #tpu.memory_space<hbm>>) dst(%dma_wait3A_822 : memref<128xi32, #tpu.memory_space<vmem>>)
        %dma_start3A_826 = arith.constant 0 : i32
        %dma_start3A_827 = arith.constant 0 : i32
        %dma_start3A_828 = arith.constant 0 : i32
        %dma_start3A_829 = arith.constant 0 : i32
        %dma_start3A_830 = tpu.memref_slice %arg8[%dma_start3A_827, %dma_start3A_828, %dma_start3A_829] : memref<2x128x32xf32, #tpu.memory_space<vmem>> -> memref<1x128x32xf32, #tpu.memory_space<vmem>>
        %dma_start3A_831 = tpu.memref_squeeze %dma_start3A_830 : memref<1x128x32xf32, #tpu.memory_space<vmem>> -> memref<128x32xf32, #tpu.memory_space<vmem>>
        %dma_start3A_832 = arith.constant 0 : i32
        %dma_start3A_833 = tpu.memref_slice %arg7[%dma_start3A_826, %dma_start3A_832] : memref<2x128xi32, #tpu.memory_space<vmem>> -> memref<1x128xi32, #tpu.memory_space<vmem>>
        %dma_start3A_834 = tpu.memref_squeeze %dma_start3A_833 : memref<1x128xi32, #tpu.memory_space<vmem>> -> memref<128xi32, #tpu.memory_space<vmem>>
        %dma_start3A_835 = arith.constant 0 : i32
        %dma_start3A_836 = arith.constant 0 : i32
        %dma_start3A_837 = tpu.memref_slice %arg3[%dma_start3A_835, %dma_start3A_836] : memref<1000000x32xf32, #tpu.memory_space<hbm>> -> memref<1000000x32xf32, #tpu.memory_space<hbm>>
        tpu.enqueue_indirect_dma source(%dma_start3A_837 : memref<1000000x32xf32, #tpu.memory_space<hbm>>) target(%dma_start3A_831 : memref<128x32xf32, #tpu.memory_space<vmem>>) offsets(%dma_start3A_834 : memref<128xi32, #tpu.memory_space<vmem>>) semaphore(%arg11 : memref<!tpu.dma_semaphore, #tpu.memory_space<semaphore_mem>>)
      } else {
      }
      %add3A_539 = arith.constant 1 : i32
      %add3A_540 = arith.addi %add3A_368, %add3A_539 : i32
      %add3A_541 = arith.addi %mul3A_2, %add3A_540 : i32
      %jit3A_542 = arith.constant 32 : i32
      %div3A_543 = arith.divsi %add3A_541, %jit3A_542 : i32
      %sign3A_544 = arith.constant 0 : i32
      %sign3A_545 = arith.cmpi sgt, %add3A_541, %sign3A_544 : i32
      %sign3A_546 = arith.extui %sign3A_545 : i1 to i32
      %sign3A_547 = arith.constant 0 : i32
      %sign3A_548 = arith.cmpi slt, %add3A_541, %sign3A_547 : i32
      %sign3A_549 = arith.extui %sign3A_548 : i1 to i32
      %sign3A_550 = arith.subi %sign3A_546, %sign3A_549 : i32
      %sign3A_551 = arith.constant 0 : i32
      %sign3A_552 = arith.cmpi sgt, %jit3A_542, %sign3A_551 : i32
      %sign3A_553 = arith.extui %sign3A_552 : i1 to i32
      %sign3A_554 = arith.constant 0 : i32
      %sign3A_555 = arith.cmpi slt, %jit3A_542, %sign3A_554 : i32
      %sign3A_556 = arith.extui %sign3A_555 : i1 to i32
      %sign3A_557 = arith.subi %sign3A_553, %sign3A_556 : i32
      %ne3A_558 = arith.cmpi ne, %sign3A_550, %sign3A_557 : i32
      %rem3A_559 = arith.remsi %add3A_541, %jit3A_542 : i32
      %ne3A_560 = arith.constant 0 : i32
      %ne3A_561 = arith.cmpi ne, %rem3A_559, %ne3A_560 : i32
      %and3A_562 = arith.andi %ne3A_558, %ne3A_561 : i1
      %sub3A_563 = arith.constant 1 : i32
      %sub3A_564 = arith.subi %div3A_543, %sub3A_563 : i32
      %select_n3A_565 = arith.select %and3A_562, %sub3A_564, %div3A_543 : i32
      %jit3A_566 = arith.constant 32 : i32
      %eq3A_567 = arith.constant 0 : i32
      %eq3A_568 = arith.cmpi eq, %jit3A_566, %eq3A_567 : i32
      %jit3A_569 = arith.constant 1 : i32
      %select_n3A_570 = arith.select %eq3A_568, %jit3A_569, %jit3A_566 : i32
      %rem3A_571 = arith.remsi %add3A_541, %select_n3A_570 : i32
      %ne3A_572 = arith.constant 0 : i32
      %ne3A_573 = arith.cmpi ne, %rem3A_571, %ne3A_572 : i32
      %lt3A_574 = arith.constant 0 : i32
      %lt3A_575 = arith.cmpi slt, %rem3A_571, %lt3A_574 : i32
      %lt3A_576 = arith.constant 0 : i32
      %lt3A_577 = arith.cmpi slt, %select_n3A_570, %lt3A_576 : i32
      %ne3A_578 = arith.xori %lt3A_575, %lt3A_577 : i1
      %and3A_579 = arith.andi %ne3A_578, %ne3A_573 : i1
      %add3A_580 = arith.addi %rem3A_571, %select_n3A_570 : i32
      %select_n3A_581 = arith.select %and3A_579, %add3A_580, %rem3A_571 : i32
      %dma_wait3A_582 = arith.constant 1 : i32
      %dma_wait3A_583 = arith.constant 1 : i32
      %dma_wait3A_584 = arith.constant 0 : i32
      %dma_wait3A_585 = arith.constant 0 : i32
      %dma_wait3A_586 = tpu.memref_slice %arg8[%dma_wait3A_583, %dma_wait3A_584, %dma_wait3A_585] : memref<2x128x32xf32, #tpu.memory_space<vmem>> -> memref<1x128x32xf32, #tpu.memory_space<vmem>>
      %dma_wait3A_587 = tpu.memref_squeeze %dma_wait3A_586 : memref<1x128x32xf32, #tpu.memory_space<vmem>> -> memref<128x32xf32, #tpu.memory_space<vmem>>
      %dma_wait3A_588 = arith.constant 0 : i32
      %dma_wait3A_589 = tpu.memref_slice %arg7[%dma_wait3A_582, %dma_wait3A_588] : memref<2x128xi32, #tpu.memory_space<vmem>> -> memref<1x128xi32, #tpu.memory_space<vmem>>
      %dma_wait3A_590 = tpu.memref_squeeze %dma_wait3A_589 : memref<1x128xi32, #tpu.memory_space<vmem>> -> memref<128xi32, #tpu.memory_space<vmem>>
      %dma_wait3A_591 = arith.constant 0 : i32
      %dma_wait3A_592 = arith.constant 0 : i32
      %dma_wait3A_593 = tpu.memref_slice %arg3[%dma_wait3A_591, %dma_wait3A_592] : memref<1000000x32xf32, #tpu.memory_space<hbm>> -> memref<1000000x32xf32, #tpu.memory_space<hbm>>
      tpu.wait_indirect_dma semaphore(%arg11 : memref<!tpu.dma_semaphore, #tpu.memory_space<semaphore_mem>>) src(%dma_wait3A_593 : memref<1000000x32xf32, #tpu.memory_space<hbm>>) dst(%dma_wait3A_587 : memref<128x32xf32, #tpu.memory_space<vmem>>)
      %ge3A_594 = arith.constant 2 : i32
      %ge3A_595 = arith.cmpi sge, %add3A_540, %ge3A_594 : i32
      %convert_element_type3A_596 = arith.extui %ge3A_595 : i1 to i32
      %cond3A_597 = arith.constant 1 : i32
      %cond3A_598 = arith.constant 0 : i32
      %cond3A_599 = arith.cmpi ne, %convert_element_type3A_596, %cond3A_598 : i32
      scf.if %cond3A_599 {
        %dma_wait3A_714 = arith.constant 1 : i32
        %dma_wait3A_715 = arith.constant 0 : i32
        %dma_wait3A_716 = arith.constant 0 : i32
        %dma_wait3A_717 = tpu.memref_slice %arg9[%cond3A_597, %dma_wait3A_715, %dma_wait3A_716] : memref<2x32x129xf32, #tpu.memory_space<vmem>> -> memref<1x32x129xf32, #tpu.memory_space<vmem>>
        %dma_wait3A_718 = tpu.memref_squeeze %dma_wait3A_717 : memref<1x32x129xf32, #tpu.memory_space<vmem>> -> memref<32x129xf32, #tpu.memory_space<vmem>>
        %dma_wait3A_719 = arith.constant 0 : i32
        %dma_wait3A_720 = arith.constant 0 : i32
        %dma_wait3A_721 = tpu.memref_slice %dma_wait3A_718[%dma_wait3A_719, %dma_wait3A_720] : memref<32x129xf32, #tpu.memory_space<vmem>> -> memref<8x128xf32, #tpu.memory_space<vmem>>
        %dma_wait3A_722 = arith.constant 0 : i32
        %dma_wait3A_723 = tpu.memref_slice %arg7[%dma_wait3A_714, %dma_wait3A_722] : memref<2x128xi32, #tpu.memory_space<vmem>> -> memref<1x128xi32, #tpu.memory_space<vmem>>
        %dma_wait3A_724 = tpu.memref_squeeze %dma_wait3A_723 : memref<1x128xi32, #tpu.memory_space<vmem>> -> memref<128xi32, #tpu.memory_space<vmem>>
        %dma_wait3A_725 = arith.constant 0 : i32
        %dma_wait3A_726 = arith.constant 0 : i32
        %dma_wait3A_727 = tpu.memref_slice %arg3[%dma_wait3A_725, %dma_wait3A_726] : memref<1000000x32xf32, #tpu.memory_space<hbm>> -> memref<1000000x32xf32, #tpu.memory_space<hbm>>
        tpu.wait_indirect_dma semaphore(%arg12 : memref<!tpu.dma_semaphore, #tpu.memory_space<semaphore_mem>>) src(%dma_wait3A_727 : memref<1000000x32xf32, #tpu.memory_space<hbm>>) dst(%dma_wait3A_721 : memref<8x128xf32, #tpu.memory_space<vmem>>)
        %dma_wait3A_728 = arith.constant 1 : i32
        %dma_wait3A_729 = arith.constant 0 : i32
        %dma_wait3A_730 = arith.constant 0 : i32
        %dma_wait3A_731 = tpu.memref_slice %arg9[%cond3A_597, %dma_wait3A_729, %dma_wait3A_730] : memref<2x32x129xf32, #tpu.memory_space<vmem>> -> memref<1x32x129xf32, #tpu.memory_space<vmem>>
        %dma_wait3A_732 = tpu.memref_squeeze %dma_wait3A_731 : memref<1x32x129xf32, #tpu.memory_space<vmem>> -> memref<32x129xf32, #tpu.memory_space<vmem>>
        %dma_wait3A_733 = arith.constant 0 : i32
        %dma_wait3A_734 = arith.constant 0 : i32
        %dma_wait3A_735 = tpu.memref_slice %dma_wait3A_732[%dma_wait3A_733, %dma_wait3A_734] : memref<32x129xf32, #tpu.memory_space<vmem>> -> memref<8x128xf32, #tpu.memory_space<vmem>>
        %dma_wait3A_736 = arith.constant 0 : i32
        %dma_wait3A_737 = tpu.memref_slice %arg7[%dma_wait3A_728, %dma_wait3A_736] : memref<2x128xi32, #tpu.memory_space<vmem>> -> memref<1x128xi32, #tpu.memory_space<vmem>>
        %dma_wait3A_738 = tpu.memref_squeeze %dma_wait3A_737 : memref<1x128xi32, #tpu.memory_space<vmem>> -> memref<128xi32, #tpu.memory_space<vmem>>
        %dma_wait3A_739 = arith.constant 0 : i32
        %dma_wait3A_740 = arith.constant 0 : i32
        %dma_wait3A_741 = tpu.memref_slice %arg3[%dma_wait3A_739, %dma_wait3A_740] : memref<1000000x32xf32, #tpu.memory_space<hbm>> -> memref<1000000x32xf32, #tpu.memory_space<hbm>>
        tpu.wait_indirect_dma semaphore(%arg12 : memref<!tpu.dma_semaphore, #tpu.memory_space<semaphore_mem>>) src(%dma_wait3A_741 : memref<1000000x32xf32, #tpu.memory_space<hbm>>) dst(%dma_wait3A_735 : memref<8x128xf32, #tpu.memory_space<vmem>>)
        %dma_wait3A_742 = arith.constant 1 : i32
        %dma_wait3A_743 = arith.constant 0 : i32
        %dma_wait3A_744 = arith.constant 0 : i32
        %dma_wait3A_745 = tpu.memref_slice %arg9[%cond3A_597, %dma_wait3A_743, %dma_wait3A_744] : memref<2x32x129xf32, #tpu.memory_space<vmem>> -> memref<1x32x129xf32, #tpu.memory_space<vmem>>
        %dma_wait3A_746 = tpu.memref_squeeze %dma_wait3A_745 : memref<1x32x129xf32, #tpu.memory_space<vmem>> -> memref<32x129xf32, #tpu.memory_space<vmem>>
        %dma_wait3A_747 = arith.constant 0 : i32
        %dma_wait3A_748 = arith.constant 0 : i32
        %dma_wait3A_749 = tpu.memref_slice %dma_wait3A_746[%dma_wait3A_747, %dma_wait3A_748] : memref<32x129xf32, #tpu.memory_space<vmem>> -> memref<8x128xf32, #tpu.memory_space<vmem>>
        %dma_wait3A_750 = arith.constant 0 : i32
        %dma_wait3A_751 = tpu.memref_slice %arg7[%dma_wait3A_742, %dma_wait3A_750] : memref<2x128xi32, #tpu.memory_space<vmem>> -> memref<1x128xi32, #tpu.memory_space<vmem>>
        %dma_wait3A_752 = tpu.memref_squeeze %dma_wait3A_751 : memref<1x128xi32, #tpu.memory_space<vmem>> -> memref<128xi32, #tpu.memory_space<vmem>>
        %dma_wait3A_753 = arith.constant 0 : i32
        %dma_wait3A_754 = arith.constant 0 : i32
        %dma_wait3A_755 = tpu.memref_slice %arg3[%dma_wait3A_753, %dma_wait3A_754] : memref<1000000x32xf32, #tpu.memory_space<hbm>> -> memref<1000000x32xf32, #tpu.memory_space<hbm>>
        tpu.wait_indirect_dma semaphore(%arg12 : memref<!tpu.dma_semaphore, #tpu.memory_space<semaphore_mem>>) src(%dma_wait3A_755 : memref<1000000x32xf32, #tpu.memory_space<hbm>>) dst(%dma_wait3A_749 : memref<8x128xf32, #tpu.memory_space<vmem>>)
        %dma_wait3A_756 = arith.constant 1 : i32
        %dma_wait3A_757 = arith.constant 0 : i32
        %dma_wait3A_758 = arith.constant 0 : i32
        %dma_wait3A_759 = tpu.memref_slice %arg9[%cond3A_597, %dma_wait3A_757, %dma_wait3A_758] : memref<2x32x129xf32, #tpu.memory_space<vmem>> -> memref<1x32x129xf32, #tpu.memory_space<vmem>>
        %dma_wait3A_760 = tpu.memref_squeeze %dma_wait3A_759 : memref<1x32x129xf32, #tpu.memory_space<vmem>> -> memref<32x129xf32, #tpu.memory_space<vmem>>
        %dma_wait3A_761 = arith.constant 0 : i32
        %dma_wait3A_762 = arith.constant 0 : i32
        %dma_wait3A_763 = tpu.memref_slice %dma_wait3A_760[%dma_wait3A_761, %dma_wait3A_762] : memref<32x129xf32, #tpu.memory_space<vmem>> -> memref<8x128xf32, #tpu.memory_space<vmem>>
        %dma_wait3A_764 = arith.constant 0 : i32
        %dma_wait3A_765 = tpu.memref_slice %arg7[%dma_wait3A_756, %dma_wait3A_764] : memref<2x128xi32, #tpu.memory_space<vmem>> -> memref<1x128xi32, #tpu.memory_space<vmem>>
        %dma_wait3A_766 = tpu.memref_squeeze %dma_wait3A_765 : memref<1x128xi32, #tpu.memory_space<vmem>> -> memref<128xi32, #tpu.memory_space<vmem>>
        %dma_wait3A_767 = arith.constant 0 : i32
        %dma_wait3A_768 = arith.constant 0 : i32
        %dma_wait3A_769 = tpu.memref_slice %arg3[%dma_wait3A_767, %dma_wait3A_768] : memref<1000000x32xf32, #tpu.memory_space<hbm>> -> memref<1000000x32xf32, #tpu.memory_space<hbm>>
        tpu.wait_indirect_dma semaphore(%arg12 : memref<!tpu.dma_semaphore, #tpu.memory_space<semaphore_mem>>) src(%dma_wait3A_769 : memref<1000000x32xf32, #tpu.memory_space<hbm>>) dst(%dma_wait3A_763 : memref<8x128xf32, #tpu.memory_space<vmem>>)
      } else {
      }
      %get3A_600 = arith.index_cast %select_n3A_565 : i32 to index
      %get3A_601 = arith.constant 0 : index
      %get3A_602 = tpu.vector_load %arg6[%get3A_600, %get3A_601] {strides = array<i32>} : memref<200x32xf32, #tpu.memory_space<vmem>>, vector<16xf32>,
      %get3A_603 = arith.index_cast %select_n3A_565 : i32 to index
      %get3A_604 = arith.constant 16 : index
      %get3A_605 = tpu.vector_load %arg6[%get3A_603, %get3A_604] {strides = array<i32>} : memref<200x32xf32, #tpu.memory_space<vmem>>, vector<16xf32>,
      %parallel_loop3A_606 = arith.constant 0 : i32
      %parallel_loop3A_607 = arith.constant 128 : i32
      %parallel_loop3A_608 = arith.constant 1 : i32
      %parallel_loop3A_609 = arith.constant 1 : i32
      %parallel_loop3A_610 = arith.constant 1 : i32
      scf.for %parallel_loop3A_714 = %parallel_loop3A_606 to %parallel_loop3A_607 step %parallel_loop3A_608  : i32 {
        %parallel_loop3A_715 = vector.broadcast %parallel_loop3A_714 : i32 to vector<16xi32>
        %parallel_loop3A_716 = arith.constant 0 : i32
        %parallel_loop3A_717 = arith.constant 0 : i32
        %parallel_loop3A_718 = tpu.memref_slice %arg8[%parallel_loop3A_609, %parallel_loop3A_716, %parallel_loop3A_717] : memref<2x128x32xf32, #tpu.memory_space<vmem>> -> memref<1x128x32xf32, #tpu.memory_space<vmem>>
        %parallel_loop3A_719 = tpu.memref_squeeze %parallel_loop3A_718 : memref<1x128x32xf32, #tpu.memory_space<vmem>> -> memref<128x32xf32, #tpu.memory_space<vmem>>
        %parallel_loop3A_720 = arith.index_cast %parallel_loop3A_714 : i32 to index
        %parallel_loop3A_721 = arith.constant 0 : index
        %parallel_loop3A_722 = tpu.vector_load %parallel_loop3A_719[%parallel_loop3A_720, %parallel_loop3A_721] {strides = array<i32>} : memref<128x32xf32, #tpu.memory_space<vmem>>, vector<16xf32>,
        %parallel_loop3A_723 = arith.addf %parallel_loop3A_722, %get3A_602 : vector<16xf32>
        %parallel_loop3A_724 = arith.constant 0 : i32
        %parallel_loop3A_725 = arith.constant 0 : i32
        %parallel_loop3A_726 = tpu.memref_slice %arg8[%parallel_loop3A_609, %parallel_loop3A_724, %parallel_loop3A_725] : memref<2x128x32xf32, #tpu.memory_space<vmem>> -> memref<1x128x32xf32, #tpu.memory_space<vmem>>
        %parallel_loop3A_727 = tpu.memref_squeeze %parallel_loop3A_726 : memref<1x128x32xf32, #tpu.memory_space<vmem>> -> memref<128x32xf32, #tpu.memory_space<vmem>>
        %parallel_loop3A_728 = arith.index_cast %parallel_loop3A_714 : i32 to index
        %parallel_loop3A_729 = arith.constant 16 : index
        %parallel_loop3A_730 = tpu.vector_load %parallel_loop3A_727[%parallel_loop3A_728, %parallel_loop3A_729] {strides = array<i32>} : memref<128x32xf32, #tpu.memory_space<vmem>>, vector<16xf32>,
        %parallel_loop3A_731 = arith.addf %parallel_loop3A_730, %get3A_605 : vector<16xf32>
        %parallel_loop3A_732 = arith.constant 0 : i32
        %parallel_loop3A_733 = arith.constant 0 : i32
        %parallel_loop3A_734 = tpu.memref_slice %arg9[%parallel_loop3A_610, %parallel_loop3A_732, %parallel_loop3A_733] : memref<2x32x129xf32, #tpu.memory_space<vmem>> -> memref<1x32x129xf32, #tpu.memory_space<vmem>>
        %parallel_loop3A_735 = tpu.memref_squeeze %parallel_loop3A_734 : memref<1x32x129xf32, #tpu.memory_space<vmem>> -> memref<32x129xf32, #tpu.memory_space<vmem>>
        tpu.vector_store_idx %parallel_loop3A_735[%iota3A, %parallel_loop3A_715], %parallel_loop3A_723 : memref<32x129xf32, #tpu.memory_space<vmem>>[vector<16xi32>, vector<16xi32>], vector<16xf32>,
        %parallel_loop3A_736 = arith.constant 0 : i32
        %parallel_loop3A_737 = arith.constant 0 : i32
        %parallel_loop3A_738 = tpu.memref_slice %arg9[%parallel_loop3A_610, %parallel_loop3A_736, %parallel_loop3A_737] : memref<2x32x129xf32, #tpu.memory_space<vmem>> -> memref<1x32x129xf32, #tpu.memory_space<vmem>>
        %parallel_loop3A_739 = tpu.memref_squeeze %parallel_loop3A_738 : memref<1x32x129xf32, #tpu.memory_space<vmem>> -> memref<32x129xf32, #tpu.memory_space<vmem>>
        tpu.vector_store_idx %parallel_loop3A_739[%add3A_5, %parallel_loop3A_715], %parallel_loop3A_731 : memref<32x129xf32, #tpu.memory_space<vmem>>[vector<16xi32>, vector<16xi32>], vector<16xf32>,
      } {sc.loop_unroll_factor = 8 : i64, sc.parallel_access}
      %dma_start3A_611 = arith.constant 1 : i32
      %dma_start3A_612 = arith.constant 0 : i32
      %dma_start3A_613 = arith.constant 0 : i32
      %dma_start3A_614 = arith.constant 0 : i32
      %dma_start3A_615 = tpu.memref_slice %arg9[%dma_start3A_611, %dma_start3A_613, %dma_start3A_614] : memref<2x32x129xf32, #tpu.memory_space<vmem>> -> memref<1x32x129xf32, #tpu.memory_space<vmem>>
      %dma_start3A_616 = tpu.memref_squeeze %dma_start3A_615 : memref<1x32x129xf32, #tpu.memory_space<vmem>> -> memref<32x129xf32, #tpu.memory_space<vmem>>
      %dma_start3A_617 = arith.constant 0 : i32
      %dma_start3A_618 = arith.constant 0 : i32
      %dma_start3A_619 = tpu.memref_slice %dma_start3A_616[%dma_start3A_617, %dma_start3A_618] : memref<32x129xf32, #tpu.memory_space<vmem>> -> memref<8x128xf32, #tpu.memory_space<vmem>>
      %dma_start3A_620 = arith.constant 0 : i32
      %dma_start3A_621 = arith.constant 0 : i32
      %dma_start3A_622 = tpu.memref_slice %arg5[%select_n3A_565, %dma_start3A_612, %select_n3A_581, %dma_start3A_620, %dma_start3A_621] : memref<200x4x32x8x128xf32, #tpu.memory_space<hbm>> -> memref<1x1x1x8x128xf32, #tpu.memory_space<hbm>>
      %dma_start3A_623 = tpu.memref_squeeze %dma_start3A_622 : memref<1x1x1x8x128xf32, #tpu.memory_space<hbm>> -> memref<8x128xf32, #tpu.memory_space<hbm>>
      %dma_start3A_624 = arith.constant 0 : i32
      %dma_start3A_625 = arith.constant 0 : i32
      %dma_start3A_626 = tpu.memref_slice %arg5[%select_n3A_565, %dma_start3A_612, %select_n3A_581, %dma_start3A_624, %dma_start3A_625] : memref<200x4x32x8x128xf32, #tpu.memory_space<hbm>> -> memref<1x1x1x8x128xf32, #tpu.memory_space<hbm>>
      %dma_start3A_627 = tpu.memref_squeeze %dma_start3A_626 : memref<1x1x1x8x128xf32, #tpu.memory_space<hbm>> -> memref<8x128xf32, #tpu.memory_space<hbm>>
      %dma_start3A_628 = arith.constant 0 : i32
      %dma_start3A_629 = arith.constant 0 : i32
      %dma_start3A_630 = tpu.memref_slice %arg9[%dma_start3A_611, %dma_start3A_628, %dma_start3A_629] : memref<2x32x129xf32, #tpu.memory_space<vmem>> -> memref<1x32x129xf32, #tpu.memory_space<vmem>>
      %dma_start3A_631 = tpu.memref_squeeze %dma_start3A_630 : memref<1x32x129xf32, #tpu.memory_space<vmem>> -> memref<32x129xf32, #tpu.memory_space<vmem>>
      %dma_start3A_632 = arith.constant 0 : i32
      %dma_start3A_633 = arith.constant 0 : i32
      %dma_start3A_634 = tpu.memref_slice %dma_start3A_631[%dma_start3A_632, %dma_start3A_633] : memref<32x129xf32, #tpu.memory_space<vmem>> -> memref<8x128xf32, #tpu.memory_space<vmem>>
      tpu.enqueue_dma source(%dma_start3A_634 : memref<8x128xf32, #tpu.memory_space<vmem>>) target(%dma_start3A_627 : memref<8x128xf32, #tpu.memory_space<hbm>>) target_semaphore(%arg12 : memref<!tpu.dma_semaphore, #tpu.memory_space<semaphore_mem>>)
      %dma_start3A_635 = arith.constant 1 : i32
      %dma_start3A_636 = arith.constant 1 : i32
      %dma_start3A_637 = arith.constant 0 : i32
      %dma_start3A_638 = arith.constant 0 : i32
      %dma_start3A_639 = tpu.memref_slice %arg9[%dma_start3A_635, %dma_start3A_637, %dma_start3A_638] : memref<2x32x129xf32, #tpu.memory_space<vmem>> -> memref<1x32x129xf32, #tpu.memory_space<vmem>>
      %dma_start3A_640 = tpu.memref_squeeze %dma_start3A_639 : memref<1x32x129xf32, #tpu.memory_space<vmem>> -> memref<32x129xf32, #tpu.memory_space<vmem>>
      %dma_start3A_641 = arith.constant 8 : i32
      %dma_start3A_642 = arith.constant 0 : i32
      %dma_start3A_643 = tpu.memref_slice %dma_start3A_640[%dma_start3A_641, %dma_start3A_642] : memref<32x129xf32, #tpu.memory_space<vmem>> -> memref<8x128xf32, #tpu.memory_space<vmem>>
      %dma_start3A_644 = arith.constant 0 : i32
      %dma_start3A_645 = arith.constant 0 : i32
      %dma_start3A_646 = tpu.memref_slice %arg5[%select_n3A_565, %dma_start3A_636, %select_n3A_581, %dma_start3A_644, %dma_start3A_645] : memref<200x4x32x8x128xf32, #tpu.memory_space<hbm>> -> memref<1x1x1x8x128xf32, #tpu.memory_space<hbm>>
      %dma_start3A_647 = tpu.memref_squeeze %dma_start3A_646 : memref<1x1x1x8x128xf32, #tpu.memory_space<hbm>> -> memref<8x128xf32, #tpu.memory_space<hbm>>
      %dma_start3A_648 = arith.constant 0 : i32
      %dma_start3A_649 = arith.constant 0 : i32
      %dma_start3A_650 = tpu.memref_slice %arg5[%select_n3A_565, %dma_start3A_636, %select_n3A_581, %dma_start3A_648, %dma_start3A_649] : memref<200x4x32x8x128xf32, #tpu.memory_space<hbm>> -> memref<1x1x1x8x128xf32, #tpu.memory_space<hbm>>
      %dma_start3A_651 = tpu.memref_squeeze %dma_start3A_650 : memref<1x1x1x8x128xf32, #tpu.memory_space<hbm>> -> memref<8x128xf32, #tpu.memory_space<hbm>>
      %dma_start3A_652 = arith.constant 0 : i32
      %dma_start3A_653 = arith.constant 0 : i32
      %dma_start3A_654 = tpu.memref_slice %arg9[%dma_start3A_635, %dma_start3A_652, %dma_start3A_653] : memref<2x32x129xf32, #tpu.memory_space<vmem>> -> memref<1x32x129xf32, #tpu.memory_space<vmem>>
      %dma_start3A_655 = tpu.memref_squeeze %dma_start3A_654 : memref<1x32x129xf32, #tpu.memory_space<vmem>> -> memref<32x129xf32, #tpu.memory_space<vmem>>
      %dma_start3A_656 = arith.constant 8 : i32
      %dma_start3A_657 = arith.constant 0 : i32
      %dma_start3A_658 = tpu.memref_slice %dma_start3A_655[%dma_start3A_656, %dma_start3A_657] : memref<32x129xf32, #tpu.memory_space<vmem>> -> memref<8x128xf32, #tpu.memory_space<vmem>>
      tpu.enqueue_dma source(%dma_start3A_658 : memref<8x128xf32, #tpu.memory_space<vmem>>) target(%dma_start3A_651 : memref<8x128xf32, #tpu.memory_space<hbm>>) target_semaphore(%arg12 : memref<!tpu.dma_semaphore, #tpu.memory_space<semaphore_mem>>)
      %dma_start3A_659 = arith.constant 1 : i32
      %dma_start3A_660 = arith.constant 2 : i32
      %dma_start3A_661 = arith.constant 0 : i32
      %dma_start3A_662 = arith.constant 0 : i32
      %dma_start3A_663 = tpu.memref_slice %arg9[%dma_start3A_659, %dma_start3A_661, %dma_start3A_662] : memref<2x32x129xf32, #tpu.memory_space<vmem>> -> memref<1x32x129xf32, #tpu.memory_space<vmem>>
      %dma_start3A_664 = tpu.memref_squeeze %dma_start3A_663 : memref<1x32x129xf32, #tpu.memory_space<vmem>> -> memref<32x129xf32, #tpu.memory_space<vmem>>
      %dma_start3A_665 = arith.constant 16 : i32
      %dma_start3A_666 = arith.constant 0 : i32
      %dma_start3A_667 = tpu.memref_slice %dma_start3A_664[%dma_start3A_665, %dma_start3A_666] : memref<32x129xf32, #tpu.memory_space<vmem>> -> memref<8x128xf32, #tpu.memory_space<vmem>>
      %dma_start3A_668 = arith.constant 0 : i32
      %dma_start3A_669 = arith.constant 0 : i32
      %dma_start3A_670 = tpu.memref_slice %arg5[%select_n3A_565, %dma_start3A_660, %select_n3A_581, %dma_start3A_668, %dma_start3A_669] : memref<200x4x32x8x128xf32, #tpu.memory_space<hbm>> -> memref<1x1x1x8x128xf32, #tpu.memory_space<hbm>>
      %dma_start3A_671 = tpu.memref_squeeze %dma_start3A_670 : memref<1x1x1x8x128xf32, #tpu.memory_space<hbm>> -> memref<8x128xf32, #tpu.memory_space<hbm>>
      %dma_start3A_672 = arith.constant 0 : i32
      %dma_start3A_673 = arith.constant 0 : i32
      %dma_start3A_674 = tpu.memref_slice %arg5[%select_n3A_565, %dma_start3A_660, %select_n3A_581, %dma_start3A_672, %dma_start3A_673] : memref<200x4x32x8x128xf32, #tpu.memory_space<hbm>> -> memref<1x1x1x8x128xf32, #tpu.memory_space<hbm>>
      %dma_start3A_675 = tpu.memref_squeeze %dma_start3A_674 : memref<1x1x1x8x128xf32, #tpu.memory_space<hbm>> -> memref<8x128xf32, #tpu.memory_space<hbm>>
      %dma_start3A_676 = arith.constant 0 : i32
      %dma_start3A_677 = arith.constant 0 : i32
      %dma_start3A_678 = tpu.memref_slice %arg9[%dma_start3A_659, %dma_start3A_676, %dma_start3A_677] : memref<2x32x129xf32, #tpu.memory_space<vmem>> -> memref<1x32x129xf32, #tpu.memory_space<vmem>>
      %dma_start3A_679 = tpu.memref_squeeze %dma_start3A_678 : memref<1x32x129xf32, #tpu.memory_space<vmem>> -> memref<32x129xf32, #tpu.memory_space<vmem>>
      %dma_start3A_680 = arith.constant 16 : i32
      %dma_start3A_681 = arith.constant 0 : i32
      %dma_start3A_682 = tpu.memref_slice %dma_start3A_679[%dma_start3A_680, %dma_start3A_681] : memref<32x129xf32, #tpu.memory_space<vmem>> -> memref<8x128xf32, #tpu.memory_space<vmem>>
      tpu.enqueue_dma source(%dma_start3A_682 : memref<8x128xf32, #tpu.memory_space<vmem>>) target(%dma_start3A_675 : memref<8x128xf32, #tpu.memory_space<hbm>>) target_semaphore(%arg12 : memref<!tpu.dma_semaphore, #tpu.memory_space<semaphore_mem>>)
      %dma_start3A_683 = arith.constant 1 : i32
      %dma_start3A_684 = arith.constant 3 : i32
      %dma_start3A_685 = arith.constant 0 : i32
      %dma_start3A_686 = arith.constant 0 : i32
      %dma_start3A_687 = tpu.memref_slice %arg9[%dma_start3A_683, %dma_start3A_685, %dma_start3A_686] : memref<2x32x129xf32, #tpu.memory_space<vmem>> -> memref<1x32x129xf32, #tpu.memory_space<vmem>>
      %dma_start3A_688 = tpu.memref_squeeze %dma_start3A_687 : memref<1x32x129xf32, #tpu.memory_space<vmem>> -> memref<32x129xf32, #tpu.memory_space<vmem>>
      %dma_start3A_689 = arith.constant 24 : i32
      %dma_start3A_690 = arith.constant 0 : i32
      %dma_start3A_691 = tpu.memref_slice %dma_start3A_688[%dma_start3A_689, %dma_start3A_690] : memref<32x129xf32, #tpu.memory_space<vmem>> -> memref<8x128xf32, #tpu.memory_space<vmem>>
      %dma_start3A_692 = arith.constant 0 : i32
      %dma_start3A_693 = arith.constant 0 : i32
      %dma_start3A_694 = tpu.memref_slice %arg5[%select_n3A_565, %dma_start3A_684, %select_n3A_581, %dma_start3A_692, %dma_start3A_693] : memref<200x4x32x8x128xf32, #tpu.memory_space<hbm>> -> memref<1x1x1x8x128xf32, #tpu.memory_space<hbm>>
      %dma_start3A_695 = tpu.memref_squeeze %dma_start3A_694 : memref<1x1x1x8x128xf32, #tpu.memory_space<hbm>> -> memref<8x128xf32, #tpu.memory_space<hbm>>
      %dma_start3A_696 = arith.constant 0 : i32
      %dma_start3A_697 = arith.constant 0 : i32
      %dma_start3A_698 = tpu.memref_slice %arg5[%select_n3A_565, %dma_start3A_684, %select_n3A_581, %dma_start3A_696, %dma_start3A_697] : memref<200x4x32x8x128xf32, #tpu.memory_space<hbm>> -> memref<1x1x1x8x128xf32, #tpu.memory_space<hbm>>
      %dma_start3A_699 = tpu.memref_squeeze %dma_start3A_698 : memref<1x1x1x8x128xf32, #tpu.memory_space<hbm>> -> memref<8x128xf32, #tpu.memory_space<hbm>>
      %dma_start3A_700 = arith.constant 0 : i32
      %dma_start3A_701 = arith.constant 0 : i32
      %dma_start3A_702 = tpu.memref_slice %arg9[%dma_start3A_683, %dma_start3A_700, %dma_start3A_701] : memref<2x32x129xf32, #tpu.memory_space<vmem>> -> memref<1x32x129xf32, #tpu.memory_space<vmem>>
      %dma_start3A_703 = tpu.memref_squeeze %dma_start3A_702 : memref<1x32x129xf32, #tpu.memory_space<vmem>> -> memref<32x129xf32, #tpu.memory_space<vmem>>
      %dma_start3A_704 = arith.constant 24 : i32
      %dma_start3A_705 = arith.constant 0 : i32
      %dma_start3A_706 = tpu.memref_slice %dma_start3A_703[%dma_start3A_704, %dma_start3A_705] : memref<32x129xf32, #tpu.memory_space<vmem>> -> memref<8x128xf32, #tpu.memory_space<vmem>>
      tpu.enqueue_dma source(%dma_start3A_706 : memref<8x128xf32, #tpu.memory_space<vmem>>) target(%dma_start3A_699 : memref<8x128xf32, #tpu.memory_space<hbm>>) target_semaphore(%arg12 : memref<!tpu.dma_semaphore, #tpu.memory_space<semaphore_mem>>)
      %add3A_707 = arith.constant 2 : i32
      %add3A_708 = arith.addi %add3A_540, %add3A_707 : i32
      %lt3A_709 = arith.constant 200 : i32
      %lt3A_710 = arith.cmpi slt, %add3A_708, %lt3A_709 : i32
      %convert_element_type3A_711 = arith.extui %lt3A_710 : i1 to i32
      %cond3A_712 = arith.constant 0 : i32
      %cond3A_713 = arith.cmpi ne, %convert_element_type3A_711, %cond3A_712 : i32
      scf.if %cond3A_713 {
        %add3A_714 = arith.constant 2 : i32
        %add3A_715 = arith.addi %add3A_540, %add3A_714 : i32
        %add3A_716 = arith.addi %mul3A_2, %add3A_715 : i32
        %jit3A_717 = arith.constant 32 : i32
        %div3A_718 = arith.divsi %add3A_716, %jit3A_717 : i32
        %sign3A_719 = arith.constant 0 : i32
        %sign3A_720 = arith.cmpi sgt, %add3A_716, %sign3A_719 : i32
        %sign3A_721 = arith.extui %sign3A_720 : i1 to i32
        %sign3A_722 = arith.constant 0 : i32
        %sign3A_723 = arith.cmpi slt, %add3A_716, %sign3A_722 : i32
        %sign3A_724 = arith.extui %sign3A_723 : i1 to i32
        %sign3A_725 = arith.subi %sign3A_721, %sign3A_724 : i32
        %sign3A_726 = arith.constant 0 : i32
        %sign3A_727 = arith.cmpi sgt, %jit3A_717, %sign3A_726 : i32
        %sign3A_728 = arith.extui %sign3A_727 : i1 to i32
        %sign3A_729 = arith.constant 0 : i32
        %sign3A_730 = arith.cmpi slt, %jit3A_717, %sign3A_729 : i32
        %sign3A_731 = arith.extui %sign3A_730 : i1 to i32
        %sign3A_732 = arith.subi %sign3A_728, %sign3A_731 : i32
        %ne3A_733 = arith.cmpi ne, %sign3A_725, %sign3A_732 : i32
        %rem3A_734 = arith.remsi %add3A_716, %jit3A_717 : i32
        %ne3A_735 = arith.constant 0 : i32
        %ne3A_736 = arith.cmpi ne, %rem3A_734, %ne3A_735 : i32
        %and3A_737 = arith.andi %ne3A_733, %ne3A_736 : i1
        %sub3A_738 = arith.constant 1 : i32
        %sub3A_739 = arith.subi %div3A_718, %sub3A_738 : i32
        %select_n3A_740 = arith.select %and3A_737, %sub3A_739, %div3A_718 : i32
        %jit3A_741 = arith.constant 32 : i32
        %eq3A_742 = arith.constant 0 : i32
        %eq3A_743 = arith.cmpi eq, %jit3A_741, %eq3A_742 : i32
        %jit3A_744 = arith.constant 1 : i32
        %select_n3A_745 = arith.select %eq3A_743, %jit3A_744, %jit3A_741 : i32
        %rem3A_746 = arith.remsi %add3A_716, %select_n3A_745 : i32
        %ne3A_747 = arith.constant 0 : i32
        %ne3A_748 = arith.cmpi ne, %rem3A_746, %ne3A_747 : i32
        %lt3A_749 = arith.constant 0 : i32
        %lt3A_750 = arith.cmpi slt, %rem3A_746, %lt3A_749 : i32
        %lt3A_751 = arith.constant 0 : i32
        %lt3A_752 = arith.cmpi slt, %select_n3A_745, %lt3A_751 : i32
        %ne3A_753 = arith.xori %lt3A_750, %lt3A_752 : i1
        %and3A_754 = arith.andi %ne3A_753, %ne3A_748 : i1
        %add3A_755 = arith.addi %rem3A_746, %select_n3A_745 : i32
        %select_n3A_756 = arith.select %and3A_754, %add3A_755, %rem3A_746 : i32
        %jit3A_757 = arith.constant 8 : i32
        %div3A_758 = arith.divsi %select_n3A_740, %jit3A_757 : i32
        %sign3A_759 = arith.constant 0 : i32
        %sign3A_760 = arith.cmpi sgt, %select_n3A_740, %sign3A_759 : i32
        %sign3A_761 = arith.extui %sign3A_760 : i1 to i32
        %sign3A_762 = arith.constant 0 : i32
        %sign3A_763 = arith.cmpi slt, %select_n3A_740, %sign3A_762 : i32
        %sign3A_764 = arith.extui %sign3A_763 : i1 to i32
        %sign3A_765 = arith.subi %sign3A_761, %sign3A_764 : i32
        %sign3A_766 = arith.constant 0 : i32
        %sign3A_767 = arith.cmpi sgt, %jit3A_757, %sign3A_766 : i32
        %sign3A_768 = arith.extui %sign3A_767 : i1 to i32
        %sign3A_769 = arith.constant 0 : i32
        %sign3A_770 = arith.cmpi slt, %jit3A_757, %sign3A_769 : i32
        %sign3A_771 = arith.extui %sign3A_770 : i1 to i32
        %sign3A_772 = arith.subi %sign3A_768, %sign3A_771 : i32
        %ne3A_773 = arith.cmpi ne, %sign3A_765, %sign3A_772 : i32
        %rem3A_774 = arith.remsi %select_n3A_740, %jit3A_757 : i32
        %ne3A_775 = arith.constant 0 : i32
        %ne3A_776 = arith.cmpi ne, %rem3A_774, %ne3A_775 : i32
        %and3A_777 = arith.andi %ne3A_773, %ne3A_776 : i1
        %sub3A_778 = arith.constant 1 : i32
        %sub3A_779 = arith.subi %div3A_758, %sub3A_778 : i32
        %select_n3A_780 = arith.select %and3A_777, %sub3A_779, %div3A_758 : i32
        %jit3A_781 = arith.constant 8 : i32
        %eq3A_782 = arith.constant 0 : i32
        %eq3A_783 = arith.cmpi eq, %jit3A_781, %eq3A_782 : i32
        %jit3A_784 = arith.constant 1 : i32
        %select_n3A_785 = arith.select %eq3A_783, %jit3A_784, %jit3A_781 : i32
        %rem3A_786 = arith.remsi %select_n3A_740, %select_n3A_785 : i32
        %ne3A_787 = arith.constant 0 : i32
        %ne3A_788 = arith.cmpi ne, %rem3A_786, %ne3A_787 : i32
        %lt3A_789 = arith.constant 0 : i32
        %lt3A_790 = arith.cmpi slt, %rem3A_786, %lt3A_789 : i32
        %lt3A_791 = arith.constant 0 : i32
        %lt3A_792 = arith.cmpi slt, %select_n3A_785, %lt3A_791 : i32
        %ne3A_793 = arith.xori %lt3A_790, %lt3A_792 : i1
        %and3A_794 = arith.andi %ne3A_793, %ne3A_788 : i1
        %add3A_795 = arith.addi %rem3A_786, %select_n3A_785 : i32
        %select_n3A_796 = arith.select %and3A_794, %add3A_795, %rem3A_786 : i32
        %dma_start3A_797 = arith.constant 1 : i32
        %dma_start3A_798 = arith.constant 0 : i32
        %dma_start3A_799 = tpu.memref_slice %arg7[%dma_start3A_797, %dma_start3A_798] : memref<2x128xi32, #tpu.memory_space<vmem>> -> memref<1x128xi32, #tpu.memory_space<vmem>>
        %dma_start3A_800 = tpu.memref_squeeze %dma_start3A_799 : memref<1x128xi32, #tpu.memory_space<vmem>> -> memref<128xi32, #tpu.memory_space<vmem>>
        %dma_start3A_801 = arith.constant 0 : i32
        %dma_start3A_802 = tpu.memref_slice %arg2[%select_n3A_780, %select_n3A_756, %select_n3A_796, %dma_start3A_801] : memref<25x32x8x128xi32, #tpu.memory_space<hbm>> -> memref<1x1x1x128xi32, #tpu.memory_space<hbm>>
        %dma_start3A_803 = tpu.memref_squeeze %dma_start3A_802 : memref<1x1x1x128xi32, #tpu.memory_space<hbm>> -> memref<128xi32, #tpu.memory_space<hbm>>
        %dma_start3A_804 = arith.constant 0 : i32
        %dma_start3A_805 = tpu.memref_slice %arg7[%dma_start3A_797, %dma_start3A_804] : memref<2x128xi32, #tpu.memory_space<vmem>> -> memref<1x128xi32, #tpu.memory_space<vmem>>
        %dma_start3A_806 = tpu.memref_squeeze %dma_start3A_805 : memref<1x128xi32, #tpu.memory_space<vmem>> -> memref<128xi32, #tpu.memory_space<vmem>>
        %dma_start3A_807 = arith.constant 0 : i32
        %dma_start3A_808 = tpu.memref_slice %arg2[%select_n3A_780, %select_n3A_756, %select_n3A_796, %dma_start3A_807] : memref<25x32x8x128xi32, #tpu.memory_space<hbm>> -> memref<1x1x1x128xi32, #tpu.memory_space<hbm>>
        %dma_start3A_809 = tpu.memref_squeeze %dma_start3A_808 : memref<1x1x1x128xi32, #tpu.memory_space<hbm>> -> memref<128xi32, #tpu.memory_space<hbm>>
        tpu.enqueue_dma source(%dma_start3A_809 : memref<128xi32, #tpu.memory_space<hbm>>) target(%dma_start3A_806 : memref<128xi32, #tpu.memory_space<vmem>>) target_semaphore(%arg10 : memref<!tpu.dma_semaphore, #tpu.memory_space<semaphore_mem>>)
        %dma_wait3A_810 = arith.constant 0 : i32
        %dma_wait3A_811 = arith.constant 0 : i32
        %dma_wait3A_812 = arith.constant 0 : i32
        %dma_wait3A_813 = arith.constant 1 : i32
        %dma_wait3A_814 = arith.constant 0 : i32
        %dma_wait3A_815 = tpu.memref_slice %arg7[%dma_wait3A_813, %dma_wait3A_814] : memref<2x128xi32, #tpu.memory_space<vmem>> -> memref<1x128xi32, #tpu.memory_space<vmem>>
        %dma_wait3A_816 = tpu.memref_squeeze %dma_wait3A_815 : memref<1x128xi32, #tpu.memory_space<vmem>> -> memref<128xi32, #tpu.memory_space<vmem>>
        %dma_wait3A_817 = arith.constant 0 : i32
        %dma_wait3A_818 = tpu.memref_slice %arg2[%dma_wait3A_810, %dma_wait3A_811, %dma_wait3A_812, %dma_wait3A_817] : memref<25x32x8x128xi32, #tpu.memory_space<hbm>> -> memref<1x1x1x128xi32, #tpu.memory_space<hbm>>
        %dma_wait3A_819 = tpu.memref_squeeze %dma_wait3A_818 : memref<1x1x1x128xi32, #tpu.memory_space<hbm>> -> memref<128xi32, #tpu.memory_space<hbm>>
        %dma_wait3A_820 = arith.constant 0 : i32
        %dma_wait3A_821 = tpu.memref_slice %arg7[%dma_wait3A_813, %dma_wait3A_820] : memref<2x128xi32, #tpu.memory_space<vmem>> -> memref<1x128xi32, #tpu.memory_space<vmem>>
        %dma_wait3A_822 = tpu.memref_squeeze %dma_wait3A_821 : memref<1x128xi32, #tpu.memory_space<vmem>> -> memref<128xi32, #tpu.memory_space<vmem>>
        %dma_wait3A_823 = arith.constant 0 : i32
        %dma_wait3A_824 = tpu.memref_slice %arg2[%dma_wait3A_810, %dma_wait3A_811, %dma_wait3A_812, %dma_wait3A_823] : memref<25x32x8x128xi32, #tpu.memory_space<hbm>> -> memref<1x1x1x128xi32, #tpu.memory_space<hbm>>
        %dma_wait3A_825 = tpu.memref_squeeze %dma_wait3A_824 : memref<1x1x1x128xi32, #tpu.memory_space<hbm>> -> memref<128xi32, #tpu.memory_space<hbm>>
        tpu.wait_dma2 semaphore(%arg10 : memref<!tpu.dma_semaphore, #tpu.memory_space<semaphore_mem>>) src(%dma_wait3A_825 : memref<128xi32, #tpu.memory_space<hbm>>) dst(%dma_wait3A_822 : memref<128xi32, #tpu.memory_space<vmem>>)
        %dma_start3A_826 = arith.constant 1 : i32
        %dma_start3A_827 = arith.constant 1 : i32
        %dma_start3A_828 = arith.constant 0 : i32
        %dma_start3A_829 = arith.constant 0 : i32
        %dma_start3A_830 = tpu.memref_slice %arg8[%dma_start3A_827, %dma_start3A_828, %dma_start3A_829] : memref<2x128x32xf32, #tpu.memory_space<vmem>> -> memref<1x128x32xf32, #tpu.memory_space<vmem>>
        %dma_start3A_831 = tpu.memref_squeeze %dma_start3A_830 : memref<1x128x32xf32, #tpu.memory_space<vmem>> -> memref<128x32xf32, #tpu.memory_space<vmem>>
        %dma_start3A_832 = arith.constant 0 : i32
        %dma_start3A_833 = tpu.memref_slice %arg7[%dma_start3A_826, %dma_start3A_832] : memref<2x128xi32, #tpu.memory_space<vmem>> -> memref<1x128xi32, #tpu.memory_space<vmem>>
        %dma_start3A_834 = tpu.memref_squeeze %dma_start3A_833 : memref<1x128xi32, #tpu.memory_space<vmem>> -> memref<128xi32, #tpu.memory_space<vmem>>
        %dma_start3A_835 = arith.constant 0 : i32
        %dma_start3A_836 = arith.constant 0 : i32
        %dma_start3A_837 = tpu.memref_slice %arg3[%dma_start3A_835, %dma_start3A_836] : memref<1000000x32xf32, #tpu.memory_space<hbm>> -> memref<1000000x32xf32, #tpu.memory_space<hbm>>
        tpu.enqueue_indirect_dma source(%dma_start3A_837 : memref<1000000x32xf32, #tpu.memory_space<hbm>>) target(%dma_start3A_831 : memref<128x32xf32, #tpu.memory_space<vmem>>) offsets(%dma_start3A_834 : memref<128xi32, #tpu.memory_space<vmem>>) semaphore(%arg11 : memref<!tpu.dma_semaphore, #tpu.memory_space<semaphore_mem>>)
      } else {
      }
    }
    %scan3A_243 = arith.constant 100 : i32
    %dma_wait3A_244 = arith.constant 0 : i32
    %dma_wait3A_245 = arith.constant 0 : i32
    %dma_wait3A_246 = arith.constant 0 : i32
    %dma_wait3A_247 = arith.constant 0 : i32
    %dma_wait3A_248 = tpu.memref_slice %arg9[%dma_wait3A_245, %dma_wait3A_246, %dma_wait3A_247] : memref<2x32x129xf32, #tpu.memory_space<vmem>> -> memref<1x32x129xf32, #tpu.memory_space<vmem>>
    %dma_wait3A_249 = tpu.memref_squeeze %dma_wait3A_248 : memref<1x32x129xf32, #tpu.memory_space<vmem>> -> memref<32x129xf32, #tpu.memory_space<vmem>>
    %dma_wait3A_250 = arith.constant 0 : i32
    %dma_wait3A_251 = arith.constant 0 : i32
    %dma_wait3A_252 = tpu.memref_slice %dma_wait3A_249[%dma_wait3A_250, %dma_wait3A_251] : memref<32x129xf32, #tpu.memory_space<vmem>> -> memref<8x128xf32, #tpu.memory_space<vmem>>
    %dma_wait3A_253 = arith.constant 0 : i32
    %dma_wait3A_254 = tpu.memref_slice %arg7[%dma_wait3A_244, %dma_wait3A_253] : memref<2x128xi32, #tpu.memory_space<vmem>> -> memref<1x128xi32, #tpu.memory_space<vmem>>
    %dma_wait3A_255 = tpu.memref_squeeze %dma_wait3A_254 : memref<1x128xi32, #tpu.memory_space<vmem>> -> memref<128xi32, #tpu.memory_space<vmem>>
    %dma_wait3A_256 = arith.constant 0 : i32
    %dma_wait3A_257 = arith.constant 0 : i32
    %dma_wait3A_258 = tpu.memref_slice %arg3[%dma_wait3A_256, %dma_wait3A_257] : memref<1000000x32xf32, #tpu.memory_space<hbm>> -> memref<1000000x32xf32, #tpu.memory_space<hbm>>
    tpu.wait_indirect_dma semaphore(%arg12 : memref<!tpu.dma_semaphore, #tpu.memory_space<semaphore_mem>>) src(%dma_wait3A_258 : memref<1000000x32xf32, #tpu.memory_space<hbm>>) dst(%dma_wait3A_252 : memref<8x128xf32, #tpu.memory_space<vmem>>)
    %dma_wait3A_259 = arith.constant 0 : i32
    %dma_wait3A_260 = arith.constant 0 : i32
    %dma_wait3A_261 = arith.constant 0 : i32
    %dma_wait3A_262 = arith.constant 0 : i32
    %dma_wait3A_263 = tpu.memref_slice %arg9[%dma_wait3A_260, %dma_wait3A_261, %dma_wait3A_262] : memref<2x32x129xf32, #tpu.memory_space<vmem>> -> memref<1x32x129xf32, #tpu.memory_space<vmem>>
    %dma_wait3A_264 = tpu.memref_squeeze %dma_wait3A_263 : memref<1x32x129xf32, #tpu.memory_space<vmem>> -> memref<32x129xf32, #tpu.memory_space<vmem>>
    %dma_wait3A_265 = arith.constant 0 : i32
    %dma_wait3A_266 = arith.constant 0 : i32
    %dma_wait3A_267 = tpu.memref_slice %dma_wait3A_264[%dma_wait3A_265, %dma_wait3A_266] : memref<32x129xf32, #tpu.memory_space<vmem>> -> memref<8x128xf32, #tpu.memory_space<vmem>>
    %dma_wait3A_268 = arith.constant 0 : i32
    %dma_wait3A_269 = tpu.memref_slice %arg7[%dma_wait3A_259, %dma_wait3A_268] : memref<2x128xi32, #tpu.memory_space<vmem>> -> memref<1x128xi32, #tpu.memory_space<vmem>>
    %dma_wait3A_270 = tpu.memref_squeeze %dma_wait3A_269 : memref<1x128xi32, #tpu.memory_space<vmem>> -> memref<128xi32, #tpu.memory_space<vmem>>
    %dma_wait3A_271 = arith.constant 0 : i32
    %dma_wait3A_272 = arith.constant 0 : i32
    %dma_wait3A_273 = tpu.memref_slice %arg3[%dma_wait3A_271, %dma_wait3A_272] : memref<1000000x32xf32, #tpu.memory_space<hbm>> -> memref<1000000x32xf32, #tpu.memory_space<hbm>>
    tpu.wait_indirect_dma semaphore(%arg12 : memref<!tpu.dma_semaphore, #tpu.memory_space<semaphore_mem>>) src(%dma_wait3A_273 : memref<1000000x32xf32, #tpu.memory_space<hbm>>) dst(%dma_wait3A_267 : memref<8x128xf32, #tpu.memory_space<vmem>>)
    %dma_wait3A_274 = arith.constant 0 : i32
    %dma_wait3A_275 = arith.constant 0 : i32
    %dma_wait3A_276 = arith.constant 0 : i32
    %dma_wait3A_277 = arith.constant 0 : i32
    %dma_wait3A_278 = tpu.memref_slice %arg9[%dma_wait3A_275, %dma_wait3A_276, %dma_wait3A_277] : memref<2x32x129xf32, #tpu.memory_space<vmem>> -> memref<1x32x129xf32, #tpu.memory_space<vmem>>
    %dma_wait3A_279 = tpu.memref_squeeze %dma_wait3A_278 : memref<1x32x129xf32, #tpu.memory_space<vmem>> -> memref<32x129xf32, #tpu.memory_space<vmem>>
    %dma_wait3A_280 = arith.constant 0 : i32
    %dma_wait3A_281 = arith.constant 0 : i32
    %dma_wait3A_282 = tpu.memref_slice %dma_wait3A_279[%dma_wait3A_280, %dma_wait3A_281] : memref<32x129xf32, #tpu.memory_space<vmem>> -> memref<8x128xf32, #tpu.memory_space<vmem>>
    %dma_wait3A_283 = arith.constant 0 : i32
    %dma_wait3A_284 = tpu.memref_slice %arg7[%dma_wait3A_274, %dma_wait3A_283] : memref<2x128xi32, #tpu.memory_space<vmem>> -> memref<1x128xi32, #tpu.memory_space<vmem>>
    %dma_wait3A_285 = tpu.memref_squeeze %dma_wait3A_284 : memref<1x128xi32, #tpu.memory_space<vmem>> -> memref<128xi32, #tpu.memory_space<vmem>>
    %dma_wait3A_286 = arith.constant 0 : i32
    %dma_wait3A_287 = arith.constant 0 : i32
    %dma_wait3A_288 = tpu.memref_slice %arg3[%dma_wait3A_286, %dma_wait3A_287] : memref<1000000x32xf32, #tpu.memory_space<hbm>> -> memref<1000000x32xf32, #tpu.memory_space<hbm>>
    tpu.wait_indirect_dma semaphore(%arg12 : memref<!tpu.dma_semaphore, #tpu.memory_space<semaphore_mem>>) src(%dma_wait3A_288 : memref<1000000x32xf32, #tpu.memory_space<hbm>>) dst(%dma_wait3A_282 : memref<8x128xf32, #tpu.memory_space<vmem>>)
    %dma_wait3A_289 = arith.constant 0 : i32
    %dma_wait3A_290 = arith.constant 0 : i32
    %dma_wait3A_291 = arith.constant 0 : i32
    %dma_wait3A_292 = arith.constant 0 : i32
    %dma_wait3A_293 = tpu.memref_slice %arg9[%dma_wait3A_290, %dma_wait3A_291, %dma_wait3A_292] : memref<2x32x129xf32, #tpu.memory_space<vmem>> -> memref<1x32x129xf32, #tpu.memory_space<vmem>>
    %dma_wait3A_294 = tpu.memref_squeeze %dma_wait3A_293 : memref<1x32x129xf32, #tpu.memory_space<vmem>> -> memref<32x129xf32, #tpu.memory_space<vmem>>
    %dma_wait3A_295 = arith.constant 0 : i32
    %dma_wait3A_296 = arith.constant 0 : i32
    %dma_wait3A_297 = tpu.memref_slice %dma_wait3A_294[%dma_wait3A_295, %dma_wait3A_296] : memref<32x129xf32, #tpu.memory_space<vmem>> -> memref<8x128xf32, #tpu.memory_space<vmem>>
    %dma_wait3A_298 = arith.constant 0 : i32
    %dma_wait3A_299 = tpu.memref_slice %arg7[%dma_wait3A_289, %dma_wait3A_298] : memref<2x128xi32, #tpu.memory_space<vmem>> -> memref<1x128xi32, #tpu.memory_space<vmem>>
    %dma_wait3A_300 = tpu.memref_squeeze %dma_wait3A_299 : memref<1x128xi32, #tpu.memory_space<vmem>> -> memref<128xi32, #tpu.memory_space<vmem>>
    %dma_wait3A_301 = arith.constant 0 : i32
    %dma_wait3A_302 = arith.constant 0 : i32
    %dma_wait3A_303 = tpu.memref_slice %arg3[%dma_wait3A_301, %dma_wait3A_302] : memref<1000000x32xf32, #tpu.memory_space<hbm>> -> memref<1000000x32xf32, #tpu.memory_space<hbm>>
    tpu.wait_indirect_dma semaphore(%arg12 : memref<!tpu.dma_semaphore, #tpu.memory_space<semaphore_mem>>) src(%dma_wait3A_303 : memref<1000000x32xf32, #tpu.memory_space<hbm>>) dst(%dma_wait3A_297 : memref<8x128xf32, #tpu.memory_space<vmem>>)
    %dma_wait3A_304 = arith.constant 1 : i32
    %dma_wait3A_305 = arith.constant 1 : i32
    %dma_wait3A_306 = arith.constant 0 : i32
    %dma_wait3A_307 = arith.constant 0 : i32
    %dma_wait3A_308 = tpu.memref_slice %arg9[%dma_wait3A_305, %dma_wait3A_306, %dma_wait3A_307] : memref<2x32x129xf32, #tpu.memory_space<vmem>> -> memref<1x32x129xf32, #tpu.memory_space<vmem>>
    %dma_wait3A_309 = tpu.memref_squeeze %dma_wait3A_308 : memref<1x32x129xf32, #tpu.memory_space<vmem>> -> memref<32x129xf32, #tpu.memory_space<vmem>>
    %dma_wait3A_310 = arith.constant 0 : i32
    %dma_wait3A_311 = arith.constant 0 : i32
    %dma_wait3A_312 = tpu.memref_slice %dma_wait3A_309[%dma_wait3A_310, %dma_wait3A_311] : memref<32x129xf32, #tpu.memory_space<vmem>> -> memref<8x128xf32, #tpu.memory_space<vmem>>
    %dma_wait3A_313 = arith.constant 0 : i32
    %dma_wait3A_314 = tpu.memref_slice %arg7[%dma_wait3A_304, %dma_wait3A_313] : memref<2x128xi32, #tpu.memory_space<vmem>> -> memref<1x128xi32, #tpu.memory_space<vmem>>
    %dma_wait3A_315 = tpu.memref_squeeze %dma_wait3A_314 : memref<1x128xi32, #tpu.memory_space<vmem>> -> memref<128xi32, #tpu.memory_space<vmem>>
    %dma_wait3A_316 = arith.constant 0 : i32
    %dma_wait3A_317 = arith.constant 0 : i32
    %dma_wait3A_318 = tpu.memref_slice %arg3[%dma_wait3A_316, %dma_wait3A_317] : memref<1000000x32xf32, #tpu.memory_space<hbm>> -> memref<1000000x32xf32, #tpu.memory_space<hbm>>
    tpu.wait_indirect_dma semaphore(%arg12 : memref<!tpu.dma_semaphore, #tpu.memory_space<semaphore_mem>>) src(%dma_wait3A_318 : memref<1000000x32xf32, #tpu.memory_space<hbm>>) dst(%dma_wait3A_312 : memref<8x128xf32, #tpu.memory_space<vmem>>)
    %dma_wait3A_319 = arith.constant 1 : i32
    %dma_wait3A_320 = arith.constant 1 : i32
    %dma_wait3A_321 = arith.constant 0 : i32
    %dma_wait3A_322 = arith.constant 0 : i32
    %dma_wait3A_323 = tpu.memref_slice %arg9[%dma_wait3A_320, %dma_wait3A_321, %dma_wait3A_322] : memref<2x32x129xf32, #tpu.memory_space<vmem>> -> memref<1x32x129xf32, #tpu.memory_space<vmem>>
    %dma_wait3A_324 = tpu.memref_squeeze %dma_wait3A_323 : memref<1x32x129xf32, #tpu.memory_space<vmem>> -> memref<32x129xf32, #tpu.memory_space<vmem>>
    %dma_wait3A_325 = arith.constant 0 : i32
    %dma_wait3A_326 = arith.constant 0 : i32
    %dma_wait3A_327 = tpu.memref_slice %dma_wait3A_324[%dma_wait3A_325, %dma_wait3A_326] : memref<32x129xf32, #tpu.memory_space<vmem>> -> memref<8x128xf32, #tpu.memory_space<vmem>>
    %dma_wait3A_328 = arith.constant 0 : i32
    %dma_wait3A_329 = tpu.memref_slice %arg7[%dma_wait3A_319, %dma_wait3A_328] : memref<2x128xi32, #tpu.memory_space<vmem>> -> memref<1x128xi32, #tpu.memory_space<vmem>>
    %dma_wait3A_330 = tpu.memref_squeeze %dma_wait3A_329 : memref<1x128xi32, #tpu.memory_space<vmem>> -> memref<128xi32, #tpu.memory_space<vmem>>
    %dma_wait3A_331 = arith.constant 0 : i32
    %dma_wait3A_332 = arith.constant 0 : i32
    %dma_wait3A_333 = tpu.memref_slice %arg3[%dma_wait3A_331, %dma_wait3A_332] : memref<1000000x32xf32, #tpu.memory_space<hbm>> -> memref<1000000x32xf32, #tpu.memory_space<hbm>>
    tpu.wait_indirect_dma semaphore(%arg12 : memref<!tpu.dma_semaphore, #tpu.memory_space<semaphore_mem>>) src(%dma_wait3A_333 : memref<1000000x32xf32, #tpu.memory_space<hbm>>) dst(%dma_wait3A_327 : memref<8x128xf32, #tpu.memory_space<vmem>>)
    %dma_wait3A_334 = arith.constant 1 : i32
    %dma_wait3A_335 = arith.constant 1 : i32
    %dma_wait3A_336 = arith.constant 0 : i32
    %dma_wait3A_337 = arith.constant 0 : i32
    %dma_wait3A_338 = tpu.memref_slice %arg9[%dma_wait3A_335, %dma_wait3A_336, %dma_wait3A_337] : memref<2x32x129xf32, #tpu.memory_space<vmem>> -> memref<1x32x129xf32, #tpu.memory_space<vmem>>
    %dma_wait3A_339 = tpu.memref_squeeze %dma_wait3A_338 : memref<1x32x129xf32, #tpu.memory_space<vmem>> -> memref<32x129xf32, #tpu.memory_space<vmem>>
    %dma_wait3A_340 = arith.constant 0 : i32
    %dma_wait3A_341 = arith.constant 0 : i32
    %dma_wait3A_342 = tpu.memref_slice %dma_wait3A_339[%dma_wait3A_340, %dma_wait3A_341] : memref<32x129xf32, #tpu.memory_space<vmem>> -> memref<8x128xf32, #tpu.memory_space<vmem>>
    %dma_wait3A_343 = arith.constant 0 : i32
    %dma_wait3A_344 = tpu.memref_slice %arg7[%dma_wait3A_334, %dma_wait3A_343] : memref<2x128xi32, #tpu.memory_space<vmem>> -> memref<1x128xi32, #tpu.memory_space<vmem>>
    %dma_wait3A_345 = tpu.memref_squeeze %dma_wait3A_344 : memref<1x128xi32, #tpu.memory_space<vmem>> -> memref<128xi32, #tpu.memory_space<vmem>>
    %dma_wait3A_346 = arith.constant 0 : i32
    %dma_wait3A_347 = arith.constant 0 : i32
    %dma_wait3A_348 = tpu.memref_slice %arg3[%dma_wait3A_346, %dma_wait3A_347] : memref<1000000x32xf32, #tpu.memory_space<hbm>> -> memref<1000000x32xf32, #tpu.memory_space<hbm>>
    tpu.wait_indirect_dma semaphore(%arg12 : memref<!tpu.dma_semaphore, #tpu.memory_space<semaphore_mem>>) src(%dma_wait3A_348 : memref<1000000x32xf32, #tpu.memory_space<hbm>>) dst(%dma_wait3A_342 : memref<8x128xf32, #tpu.memory_space<vmem>>)
    %dma_wait3A_349 = arith.constant 1 : i32
    %dma_wait3A_350 = arith.constant 1 : i32
    %dma_wait3A_351 = arith.constant 0 : i32
    %dma_wait3A_352 = arith.constant 0 : i32
    %dma_wait3A_353 = tpu.memref_slice %arg9[%dma_wait3A_350, %dma_wait3A_351, %dma_wait3A_352] : memref<2x32x129xf32, #tpu.memory_space<vmem>> -> memref<1x32x129xf32, #tpu.memory_space<vmem>>
    %dma_wait3A_354 = tpu.memref_squeeze %dma_wait3A_353 : memref<1x32x129xf32, #tpu.memory_space<vmem>> -> memref<32x129xf32, #tpu.memory_space<vmem>>
    %dma_wait3A_355 = arith.constant 0 : i32
    %dma_wait3A_356 = arith.constant 0 : i32
    %dma_wait3A_357 = tpu.memref_slice %dma_wait3A_354[%dma_wait3A_355, %dma_wait3A_356] : memref<32x129xf32, #tpu.memory_space<vmem>> -> memref<8x128xf32, #tpu.memory_space<vmem>>
    %dma_wait3A_358 = arith.constant 0 : i32
    %dma_wait3A_359 = tpu.memref_slice %arg7[%dma_wait3A_349, %dma_wait3A_358] : memref<2x128xi32, #tpu.memory_space<vmem>> -> memref<1x128xi32, #tpu.memory_space<vmem>>
    %dma_wait3A_360 = tpu.memref_squeeze %dma_wait3A_359 : memref<1x128xi32, #tpu.memory_space<vmem>> -> memref<128xi32, #tpu.memory_space<vmem>>
    %dma_wait3A_361 = arith.constant 0 : i32
    %dma_wait3A_362 = arith.constant 0 : i32
    %dma_wait3A_363 = tpu.memref_slice %arg3[%dma_wait3A_361, %dma_wait3A_362] : memref<1000000x32xf32, #tpu.memory_space<hbm>> -> memref<1000000x32xf32, #tpu.memory_space<hbm>>
    tpu.wait_indirect_dma semaphore(%arg12 : memref<!tpu.dma_semaphore, #tpu.memory_space<semaphore_mem>>) src(%dma_wait3A_363 : memref<1000000x32xf32, #tpu.memory_space<hbm>>) dst(%dma_wait3A_357 : memref<8x128xf32, #tpu.memory_space<vmem>>)
    return
  }
}

</mosaic_0001>

<sc_bundles>
// kernel: kernel.3.cloned.1.call-start
scs
__scs_entry_jumppad:
0x0: {  	(pc) =	sbr.rel $0x88, $3  }
0x1: {  	(tag) =	ssettag $0x0;
	lr =	simm.s32 $0x1  }
0x2: {  	[smem:$0x3F9E] =	sst lr;
	_ =	strace $0xD0000000  }
0x3: {  	_ = 	snop  }
0x4: {  	_ = 	snop  }
0x5: {  	_ = 	snop  }
0x6: {  	_ = 	snop  }
0x7: {  	_ = 	snop  }
__scs_overlays_trampoline_lowered:
0x8: {  	[smem:$0x3FAD] =	sst s0  }
0x9: {  	[smem:$0x3FAE] =	sst s1  }
0xa: {  	[smem:$0x3FAF] =	sst s2  }
0xb: {  	[smem:$0x3FB0] =	sst s3  }
0xc: {  	[smem:$0x3FB1] =	sst s4  }
0xd: {  	[smem:$0x3FB2] =	sst s5  }
0xe: {  	[smem:$0x3FB3] =	sst s6  }
0xf: {  	[smem:$0x3FB4] =	sst s7  }
0x10: {  	[smem:$0x3FB5] =	sst s8  }
0x11: {  	[smem:$0x3FB6] =	sst s9;
	s0 =	simm.s32 @!p0 $0x0  }
0x12: {  	s1 =	sld [smem:$0x3F9C];
	s0 =	simm.s32 @p0 $0x1  }
0x13: {  	[smem:$0x3FB7] =	sst s0;
	s0 =	simm.s32 @!p1 $0x0  }
0x14: {  	s2 =	sld [smem:$0x3F9B];
	s0 =	simm.s32 @p1 $0x1  }
0x15: {  	[smem:$0x3FB8] =	sst s0;
	s0 =	simm.s32 @!p2 $0x0  }
0x16: {  	s3 =	sld [smem:$0x3FDB];
	s0 =	simm.s32 @p2 $0x1  }
0x17: {  	s4 =	simm.s32 $0x1BF5;
	[smem:$0x3FBA] =	sst s0  }
0x18: {  	s0 =	sld [smem:$0x3F9D];
	_ =	swait.ge [sflag:s4], $0x0  }
0x19: {  	s7 =	sld [smem:$0x3F9E]  }
0x1a: {  	s8 =	sadd.s32 $0xFFFFE003, lr  }
0x1b: {  	s9 =	sadd.s32 $0xFFFFFEF7, lr;
	s5 =	simm.s32 $0xFFFFFFFF;
	p2 =	slt.u32 s8, $0xFFFFF086  }
0x1c: {  	p1 =	slt.u32 s9, $0xF7A;
	s5 =	simm.s32 @!p2 $0x0  }
0x1d: {  	s5 =	simm.s32 @p1 $0x1;
	p0 =	seq.s32 s7, s2  }
0x1e: {  	s7 =	smul.u32 @!p0 $0xF7A, s2;
	p2 =	seq.s32 @!p0 s5, $0x0  }
0x1f: {  	s9 =	smul.u32 $0xF7A, s1;
	s8 =	simm.s32 @!p0 $0x1BF5;
	p2 =	por !p2, p0  }
0x20: {  	[sflag:s8] =	ssyncset.s32 @!p0 $0xFFFFF086;
	s6 =	sadd.s32 @!p0 s3, s7;
	s7 =	simm.s32 @!p0 $0x108  }
0x21: {  	s3 =	sadd.s32 s3, s9;
	s6 =	sadd.s32 @!p0 $0x88, s6;
	s7 =	simm.s32 @p2 $0x1082  }
0x22: {  	[simem:s7], [sflag:s8] =	dma.local @!p0 [hbm:s6], $0xF7A  }
0x23: {  	s9 =	sor.u32 $0xD0000000, s2;
	s6 =	simm.s32 $0x108;
	_ =	swait.ge @!p0 [sflag:s8], $0x0  }
0x24: {  	s3 =	sadd.s32 $0x88, s3;
	s6 =	simm.s32 @!p1 $0x1082;
	[sflag:s4] =	ssyncset.s32 $0xFFFFF086  }
0x25: {  	[simem:s6], [sflag:s4] =	dma.local [hbm:s3], $0xF7A  }
0x26: {  	[smem:$0x3F9E] =	sst s1;
	(tag) =	ssettag s2;
	_ =	strace s9  }
0x27: {  	s1 =	sld [smem:$0x3FAE]  }
0x28: {  	s2 =	sld [smem:$0x3FAF]  }
0x29: {  	s4 =	sld [smem:$0x3FB1]  }
0x2a: {  	p0 =	seq.s32 s5, $0x0;
	s5 =	sld [smem:$0x3FB2]  }
0x2b: {  	s6 =	sld [smem:$0x3FB3]  }
0x2c: {  	s7 =	sld [smem:$0x3FB4]  }
0x2d: {  	s3 =	simm.s32 $0x108;
	s8 =	sld [smem:$0x3FB5]  }
0x2e: {  	s3 =	simm.s32 @!p0 $0x1082;
	s9 =	sld [smem:$0x3FB6]  }
0x2f: {  	lr =	sadd.s32 s0, s3;
	s0 =	sld [smem:$0x3FAD]  }
0x30: {  	s3 =	sld [smem:$0x3FB0]  }
0x31: {  	[smem:$0x3FB9] =	sst s10  }
0x32: {  	s10 =	sld [smem:$0x3FB7];
	_ =	sdelay $0x3  }
0x33: {  	p0 =	seq.s32 s10, $0x1;
	s10 =	sld [smem:$0x3FB9];
	_ =	sdelay $0x3  }
0x34: {  	[smem:$0x3FB9] =	sst s10  }
0x35: {  	s10 =	sld [smem:$0x3FB8];
	_ =	sdelay $0x3  }
0x36: {  	p1 =	seq.s32 s10, $0x1;
	s10 =	sld [smem:$0x3FB9];
	_ =	sdelay $0x3  }
0x37: {  	[smem:$0x3FB9] =	sst s10  }
0x38: {  	s10 =	sld [smem:$0x3FBA]  }
0x39: {  	_ = 	snop;
	(pc) =	sbr.ind lr, $3  }
0x3a: {  	_ = 	snop  }
0x3b: {  	_ = 	snop  }
0x3c: {  	p2 =	seq.s32 s10, $0x1;
	s10 =	sld [smem:$0x3FB9]  }
0x3d: {  	_ =	shalt  }
0x3e: {  	_ =	shalt  }
0x3f: {  	_ =	shalt  }
0x40: {  	_ =	shalt  }
0x41: {  	_ =	shalt  }
0x42: {  	_ =	shalt  }
0x43: {  	_ =	shalt  }
0x44: {  	_ =	shalt  }
0x45: {  	_ =	shalt  }
0x46: {  	_ =	shalt  }
0x47: {  	_ =	shalt  }
0x48: {  	_ =	shalt  }
0x49: {  	_ =	shalt  }
0x4a: {  	_ =	shalt  }
0x4b: {  	_ =	shalt  }
0x4c: {  	_ =	shalt  }
0x4d: {  	_ =	shalt  }
0x4e: {  	_ =	shalt  }
0x4f: {  	_ =	shalt  }
0x50: {  	_ =	shalt  }
0x51: {  	_ =	shalt  }
0x52: {  	_ =	shalt  }
0x53: {  	_ =	shalt  }
0x54: {  	_ =	shalt  }
0x55: {  	_ =	shalt  }
0x56: {  	_ =	shalt  }
0x57: {  	_ =	shalt  }
0x58: {  	_ =	shalt  }
0x59: {  	_ =	shalt  }
0x5a: {  	_ =	shalt  }
0x5b: {  	_ =	shalt  }
0x5c: {  	_ =	shalt  }
0x5d: {  	_ =	shalt  }
0x5e: {  	_ =	shalt  }
0x5f: {  	_ =	shalt  }
0x60: {  	_ =	shalt  }
0x61: {  	_ =	shalt  }
0x62: {  	_ =	shalt  }
0x63: {  	_ =	shalt  }
0x64: {  	_ =	shalt  }
0x65: {  	_ =	shalt  }
0x66: {  	_ =	shalt  }
0x67: {  	_ =	shalt  }
0x68: {  	_ =	shalt  }
0x69: {  	_ =	shalt  }
0x6a: {  	_ =	shalt  }
0x6b: {  	_ =	shalt  }
0x6c: {  	_ =	shalt  }
0x6d: {  	_ =	shalt  }
0x6e: {  	_ =	shalt  }
0x6f: {  	_ =	shalt  }
0x70: {  	_ =	shalt  }
0x71: {  	_ =	shalt  }
0x72: {  	_ =	shalt  }
0x73: {  	_ =	shalt  }
0x74: {  	_ =	shalt  }
0x75: {  	_ =	shalt  }
0x76: {  	_ =	shalt  }
0x77: {  	_ =	shalt  }
0x78: {  	_ =	shalt  }
0x79: {  	_ =	shalt  }
0x7a: {  	_ =	shalt  }
0x7b: {  	_ =	shalt  }
0x7c: {  	_ =	shalt  }
0x7d: {  	_ =	shalt  }
0x7e: {  	_ =	shalt  }
0x7f: {  	_ =	shalt  }
0x80: {  	_ =	shalt  }
0x81: {  	_ =	shalt  }
0x82: {  	_ =	shalt  }
0x83: {  	_ =	shalt  }
0x84: {  	_ =	shalt  }
0x85: {  	_ =	shalt  }
0x86: {  	_ =	shalt  }
0x87: {  	_ =	shalt  }
.Lfunc_end0:
.L_simem_size_0:
called_computation_lowered:
.L_overlay_start_0:
0x88: {  	s2 =	sld [smem:$0x3FD9]  }
0x89: {  	s3 =	sld [smem:$0x3FFE];
	_ =	sdelay $0x1  }
0x8a: {  	s1 =	srdreg.scid  }
0x8b: {  	s0 =	sand.u32 $0x1, s1  }
0x8c: {  	s17 =	sshll.u32 s0, $0xA;
	s2 =	sadd.s32 s3, s2  }
0x8d: {  	s2 =	sadd.s32 s2, s17  }
0x8e: {  	[smem:$0x3FC5] =	sst s2  }
0x8f: {  	_ = 	snop  }
0x90: {  	s2 =	sld [smem:$0x3FC9]  }
0x91: {  	s18 =	sld [smem:$0x3FD0];
	(tm) =	ssettm $0x1  }
0x92: {  	s4 =	sld [smem:$0x3FFB];
	_ =	sdelay $0x3  }
0x93: {  	_ =	strace s4  }
0x94: {  	s4 =	sld [smem:$0x3FFC];
	_ =	sdelay $0x3  }
0x95: {  	_ =	strace s4  }
0x96: {  	s4 =	sld [smem:$0x3FFD];
	_ =	sdelay $0x3  }
0x97: {  	_ =	strace s4  }
0x98: {  	_ =	strace $0x8FFFFFFF  }
0x99: {  	s19 =	sld [smem:$0x3FDB];
	_ =	sdelay $0x1  }
0x9a: {  	s5 =	simm.s32 $_scs_section_size  }
0x9b: {  	s6 =	simm.s32 $_size__tile_overlayer_lowered;
	s7 =	simm.s32 $_tile_overlayer_lowered  }
0x9c: {  	s22 =	simm.s32 $0x1BFF;
	s21 =	sshll.u32 s7, $0x1;
	s4 =	sadd.s32 s5, s19  }
0x9d: {  	s8 =	simm.s32 $0x0;
	s20 =	sshll.u32 s6, $0x1;
	s6 =	sadd.s32 s21, s4  }
0x9e: {  	[timem:s8], [sflag:s22] =	dma.local [hbm:s6], s20  }
0x9f: {  	_ =	swait.ge [sflag:s22], s20  }
0xa0: {  	s5 =	ssub.s32 $0x0, s20;
	[sflag:s22] =	ssyncset.done $0x0  }
0xa1: {  	[sflag:s22] =	ssyncadd.s32 s5;
	_ =	sdelay $0x1  }
0xa2: {  	s23 =	simm.s32 $0x1B8B  }
0xa3: {  	_ =	swait.ge [sflag:s23], $0x1  }
0xa4: {  	[sflag:s23] =	ssyncset.done $0x0  }
0xa5: {  	s25 =	simm.s32 $0x1B8E;
	s24 =	sld [smem:$0x3FFE];
	[sflag:s23] =	ssyncadd.s32 $0xFFFFFFFF  }
0xa6: {  	s26 =	simm.s32 $execute0_lowered;
	[smem:$0x3FD2] =	sst s25  }
0xa7: {  	s6 =	sshll.u32 s26, $0x1;
	_ =	strace $0x80000046;
	[dreg:$0x1] =	wrdreg $0xFFFFFFFF  }
0xa8: {  	s28 =	simm.s32 $_size_execute0_lowered;
	s4 =	sadd.s32 s4, s6;
	[dreg:$0x0] =	wrdreg $0x0  }
0xa9: {  	s6 =	sshll.u32 s28, $0x1;
	[dreg:$0x2] =	wrdreg s4  }
0xaa: {  	[dreg:$0x3] =	wrdreg s6  }
0xab: {  	[dreg:$0x4] =	wrdreg $0xC0  }
0xac: {  	_ =	task [dreg:s8], $0x5FFFF  }
0xad: {  	[dreg:$0x1] =	wrdreg $0xFFFFFFFF  }
0xae: {  	[dreg:$0x0] =	wrdreg $0x60  }
0xaf: {  	[dreg:$0x2] =	wrdreg s2  }
0xb0: {  	[dreg:$0x3] =	wrdreg s24  }
0xb1: {  	[dreg:$0x4] =	wrdreg s18  }
0xb2: {  	[dreg:$0x5] =	wrdreg $0x9  }
0xb3: {  	_ =	task.clear_ibuf [dreg:s8], $0x6FFFF;
	_ =	strace $0x90000046  }
0xb4: {  	s29 =	simm.s32 $0x9;
	_ =	strace $0x80000048  }
0xb5: {  	_ =	swait.ge [sflag:s29], $0x1  }
0xb6: {  	[sflag:s29] =	ssyncadd.s32 $0xFFFFFFFF  }
0xb7: {  	_ =	strace $0x90000048  }
0xb8: {  	_ =	sfence  }
0xb9: {  	s30 =	sld [smem:$0x0];
	_ =	sdelay $0x2  }
0xba: {  	s31 =	sshll.u32 s1, $0xD;
	s1 =	sshrl.u32 s1, $0x2  }
0xbb: {  	s3 =	sand.u32 $0x4000, s31;
	s1 =	sadd.s32 s1, s30  }
0xbc: {  	s0 =	sor.u32 s3, s0;
	s1 =	sshll.u32 s1, $0x11  }
0xbd: {  	s0 =	sor.u32 s1, s0  }
0xbe: {  	s0 =	sadd.s32 $0x8F2B, s0  }
0xbf: {  	[sflag:s0] =	ssyncadd.remote.s32 $0x1  }
0xc0: {  	_ =	sfence.sel $0xFFFF  }
0xc1: {  	[dreg:$0x0] =	wrdreg $0xFFFFFFFF;
	(pc) =	sbr.abs _section_cstart, $3  }
0xc2: {  	[dreg:$0x1] =	wrdreg $0xFFFFFFFF  }
0xc3: {  	_ =	task.clear_ibuf [dreg:s8], $0x2FFFF;
	_ =	strace $0x9FFFFFFF  }
0xc4: {  	(tm) =	ssettm $0x7FFFFFFF  }
0xc5: {  	_ =	shalt  }
tec
execute0_lowered:
.L_overlay_start_1:
0x0: {  	(tag) =	ssettag $0x1  }
0x1: {  	s1 =	rddreg [dreg:$0x0];
	s0 =	srdreg.scid  }
0x2: {  	s3 =	stileid.u32;
	s2 =	rddreg [dreg:$0x1];
	s18 =	simm.s32 $0x1980  }
0x3: {  	s19 =	simm.s32 $0x1;
	s23 =	simm.s32 $0x2;
	s24 =	simm.s32 $0x3A00  }
0x4: {  	s22 =	simm.s32 $0x4B00;
	s21 =	simm.s32 $0x5848;
	s17 =	simm.s32 $0x58D0  }
0x5: {  	s9 =	simm.s32 $0x59E0;
	s20 =	simm.s32 $0x5A68;
	s15 =	simm.s32 $0x5AF0  }
0x6: {  	s25 =	simm.s32 $0x0;
	s0 =	sand.u32 $0x1, s0;
	s4 =	sshll.u32 s3, $0x1  }
0x7: {  	s3 =	rddreg [dreg:$0x2];
	s6 =	sor.u32 s0, s4;
	s4 =	simm.s32 $0x0  }
0x8: {  	s0 =	ssub.s32 $0x2, s0;
	s10 =	sadd.s32 $0x1000, s3;
	s11 =	sadd.s32 $0x2000, s3  }
0x9: {  	s12 =	sadd.s32 $0x3000, s3;
	s5 =	smul.u32 $0x6400, s6;
	s7 =	sshll.u32 s6, $0xD  }
0xa: {  	s8 =	smul.u32 $0x320, s6;
	[smem:$0x7FF] =	sst s4;
	s30 =	sshrl.u32 s0, $0x1  }
0xb: {  	v0 =	vlaneseq.u32;
	s7 =	sand.u32 $0x6000, s7;
	_ =	strace $0x80000047;
	s0 =	ssub.s32 s0, s30  }
0xc: {  	v1 =	vimm.s32 $0x0;
	vm0 =	vcmask $0x300;
	v0 =	vmul.u32 $0x88, v0;
	s5 =	sand.u32 $0xF8000, s5;
	s8 =	sand.u32 $0x380, s8;
	s0 =	smax.u32 s0, $0x1  }
0xd: {  	v1 =	vsel vm0, $0x3, v1;
	s7 =	sor.u32 s7, s5;
	s5 =	sadd.s32 $0xF42A00, s2;
	s2 =	sadd.s32 $0x600, s2  }
.Ltmp0:
0xe: {  	v2 =	vadd.s32 $0x880, v0;
	v3 =	vor.u32 $0x1, v0;
	v4 =	vadd.s32 $0x881, v0;
	[dreg:$0x7] =	wrdreg s0;
	s7 =	sor.u32 s8, s7;
	(pc) =	sbr.rel .LBB2_1-.Ltmp0, $4  }
0xf: {  	v5 =	vor.u32 $0x2, v0;
	v6 =	vadd.s32 $0x882, v0;
	v7 =	vor.u32 $0x3, v0;
	s0 =	simm.s32 $0x57C0;
	[dreg:$0x4] =	wrdreg s2;
	s8 =	sshrl.u32 s7, $0x3  }
0x10: {  	v8 =	vadd.s32 $0x883, v0;
	v9 =	vor.u32 $0x4, v0;
	v10 =	vadd.s32 $0x884, v0;
	s7 =	smul.u32 $0xC8, s6;
	s6 =	simm.s32 $0x5958;
	s31 =	sadd.s32 s1, s8  }
0x11: {  	v11 =	vor.u32 $0x5, v0;
	v12 =	vadd.s32 $0x885, v0;
	v13 =	vor.u32 $0x6, v0;
	s8 =	simm.s32 $0x5B78;
	[dreg:$0x5] =	wrdreg s31;
	s2 =	sadd.s32 $0x80, s31  }
0x12: {  	v14 =	vadd.s32 $0x886, v0;
	v15 =	vor.u32 $0x7, v0;
	v16 =	vadd.s32 $0x887, v0;
	s13 =	sor.u32 $0x2, s7;
	s14 =	sor.u32 $0x3, s7;
	[dreg:$0x6] =	wrdreg s2  }
.LBB2_8:
0x13: {  	s2 =	simm.s32 $0x3  }
0x14: {  	_ =	swait.ge [sflag:s2], $0x400  }
0x15: {  	[sflag:s2] =	ssyncset.done $0x0  }
0x16: {  	[sflag:s2] =	ssyncadd.s32 $0xFFFFFC00  }
0x17: {  	_ =	swait.ge [sflag:s2], $0x400  }
0x18: {  	[sflag:s2] =	ssyncset.done $0x0  }
0x19: {  	[sflag:s2] =	ssyncadd.s32 $0xFFFFFC00  }
0x1a: {  	_ =	swait.ge [sflag:s2], $0x400  }
0x1b: {  	[sflag:s2] =	ssyncset.done $0x0  }
0x1c: {  	[sflag:s2] =	ssyncadd.s32 $0xFFFFFC00  }
0x1d: {  	_ =	swait.ge [sflag:s2], $0x400  }
0x1e: {  	[sflag:s2] =	ssyncset.done $0x0  }
0x1f: {  	[sflag:s2] =	ssyncadd.s32 $0xFFFFFC00  }
0x20: {  	_ =	swait.ge [sflag:s2], $0x400  }
0x21: {  	[sflag:s2] =	ssyncset.done $0x0  }
0x22: {  	[sflag:s2] =	ssyncadd.s32 $0xFFFFFC00  }
0x23: {  	_ =	swait.ge [sflag:s2], $0x400  }
0x24: {  	[sflag:s2] =	ssyncset.done $0x0  }
0x25: {  	[sflag:s2] =	ssyncadd.s32 $0xFFFFFC00  }
0x26: {  	_ =	swait.ge [sflag:s2], $0x400  }
0x27: {  	[sflag:s2] =	ssyncset.done $0x0  }
0x28: {  	[sflag:s2] =	ssyncadd.s32 $0xFFFFFC00  }
0x29: {  	_ =	swait.ge [sflag:s2], $0x400  }
0x2a: {  	s25 =	rddreg [dreg:$0x8]  }
0x2b: {  	s16 =	rddreg [dreg:$0x7];
	s25 =	sadd.s32 $0x1, s25  }
0x2c: {  	p0 =	sne.s32 s25, s16  }
.Ltmp1:
0x2d: {  	_ = 	snop;
	(pc) =	sbr.rel @!p0 .LBB2_9-.Ltmp1, $3  }
0x2e: {  	_ =	sdelay $0x1  }
0x2f: {  	[sflag:s2] =	ssyncset.done $0x0  }
0x30: {  	[sflag:s2] =	ssyncadd.s32 $0xFFFFFC00  }
.LBB2_1:
0x31: {  	[dreg:$0x8] =	wrdreg s25  }
0x32: {  	s16 =	rddreg [dreg:$0x4];
	s25 =	simm.s32 $0x4  }
0x33: {  	[tilespmem:s4], [sflag:$0x4] =	stream.linear.gather [hbm4b:s16+s4], $0x1900, $0x38;
	[tilespmem:$0x5C00] =	vst v63  }
0x34: {  	_ =	swait.ge [sflag:s25], $0x1900  }
0x35: {  	[sflag:s25] =	ssyncset.done $0x0  }
0x36: {  	s28 =	simm.s32 $0x1900;
	s26 =	rddreg [dreg:$0x5];
	[sflag:s25] =	ssyncadd.s32 $0xFFFFE700  }
0x37: {  	[tilespmem:s28], [sflag:$0x1] =	stream.linear.gather [hbm4b:s26+s4], $0x80, $0x38;
	[tilespmem:$0x5C00] =	vst v63  }
0x38: {  	s29 =	rddreg [dreg:$0x6]  }
0x39: {  	[tilespmem:s18], [sflag:$0x1] =	stream.linear.gather [hbm4b:s29+s4], $0x80, $0x38;
	[tilespmem:$0x5C00] =	vst v63  }
0x3a: {  	_ =	swait.ge [sflag:s19], $0x80  }
0x3b: {  	[sflag:s19] =	ssyncset.done $0x0  }
0x3c: {  	s30 =	simm.s32 $0x80;
	s2 =	simm.s32 $0x1A00;
	[sflag:s19] =	ssyncadd.s32 $0xFFFFFF80  }
0x3d: {  	[tilespmem:s2], [sflag:$0x2] =	stream.indirect.gather [hbm4b:s5+s30], $0x20, s28, s30, $0xb8;
	[tilespmem:$0x5C00] =	vst v63  }
0x3e: {  	_ =	swait.ge [sflag:s19], $0x80  }
0x3f: {  	s31 =	simm.s32 $0x2A00;
	[sflag:s19] =	ssyncset.done $0x0  }
0x40: {  	s16 =	simm.s32 $0x0;
	s2 =	simm.s32 $0x80;
	[sflag:s19] =	ssyncadd.s32 $0xFFFFFF80  }
0x41: {  	[tilespmem:s31], [sflag:$0x2] =	stream.indirect.gather [hbm4b:s5+s30], $0x20, s18, s30, $0xb8;
	[tilespmem:$0x5C00] =	vst v63  }
.LBB2_2:
0x42: {  	_ =	swait.ge [sflag:s23], $0x1000  }
0x43: {  	p0 =	seq.s32 s16, $0x0;
	[sflag:s23] =	ssyncset.done $0x0  }
0x44: {  	s28 =	simm.s32 @!p0 $0x3;
	[sflag:s23] =	ssyncadd.s32 $0xFFFFF000  }
0x45: {  	_ =	swait.ge @!p0 [sflag:s28], $0x400  }
0x46: {  	[sflag:s28] =	ssyncset.done @!p0 $0x0  }
0x47: {  	[sflag:s28] =	ssyncadd.s32 @!p0 $0xFFFFFC00  }
0x48: {  	_ =	swait.ge @!p0 [sflag:s28], $0x400  }
0x49: {  	[sflag:s28] =	ssyncset.done @!p0 $0x0  }
0x4a: {  	[sflag:s28] =	ssyncadd.s32 @!p0 $0xFFFFFC00  }
0x4b: {  	_ =	swait.ge @!p0 [sflag:s28], $0x400  }
0x4c: {  	s25 =	sshll.u32 s16, $0x1;
	s29 =	simm.s32 $0x0;
	[sflag:s28] =	ssyncset.done @!p0 $0x0  }
0x4d: {  	s30 =	simm.s32 $0x1;
	s31 =	simm.s32 $0x4;
	[sflag:s28] =	ssyncadd.s32 @!p0 $0xFFFFFC00  }
0x4e: {  	s26 =	sadd.s32 s7, s25;
	v17 =	vmov s29;
	s29 =	simm.s32 $0x2;
	_ =	swait.ge @!p0 [sflag:s28], $0x400  }
0x4f: {  	v19 =	vmov s30;
	s30 =	simm.s32 $0x3;
	v22 =	vmov s31;
	s31 =	simm.s32 $0x7;
	v20 =	vmov s29;
	[sflag:s28] =	ssyncset.done @!p0 $0x0  }
0x50: {  	v21 =	vmov s30;
	s29 =	simm.s32 $0x5;
	v18 =	vshrl.u32 v17, $0x3;
	v24 =	vmov s31;
	[sflag:s28] =	ssyncadd.s32 @!p0 $0xFFFFFC00;
	s28 =	sand.u32 $0x3FE0, s26  }
0x51: {  	v19 =	vshrl.u32 v19, $0x3;
	v22 =	vshrl.u32 v22, $0x3;
	v23 =	vmov s29;
	v17 =	vld [tilespmem:s28+$0x0]  }
0x52: {  	v26 =	vshll.u32 v18, v1;
	v24 =	vshrl.u32 v24, $0x3;
	v20 =	vshrl.u32 v20, $0x3;
	v18 =	vld [tilespmem:s28+$0x10];
	s28 =	simm.s32 $0x1A80  }
0x53: {  	s29 =	simm.s32 $0x6;
	v21 =	vshrl.u32 v21, $0x3;
	v19 =	vshll.u32 v19, v1;
	v24 =	vshll.u32 v24, v1;
	v27 =	vld [tilespmem:s28+$0x60]  }
0x54: {  	v22 =	vshll.u32 v22, v1;
	v25 =	vmov s29;
	v24 =	vbroadcast v24, $0x0;
	v28 =	vld [tilespmem:s28+$0x70]  }
0x55: {  	v26 =	vbroadcast v26, $0x0;
	v23 =	vshrl.u32 v23, $0x3;
	v20 =	vshll.u32 v20, v1;
	v29 =	vld [tilespmem:s28+$0xFFFFFF80]  }
0x56: {  	v21 =	vshll.u32 v21, v1;
	v19 =	vbroadcast v19, $0x0;
	v30 =	vadd.s32 v15, v24;
	v31 =	vld [tilespmem:s28+$0xFFFFFF90]  }
0x57: {  	v22 =	vbroadcast v22, $0x0;
	v25 =	vshrl.u32 v25, $0x3;
	v32 =	vadd.s32 v0, v26;
	v33 =	vld [tilespmem:s28+$0xFFFFFFA0]  }
0x58: {  	v23 =	vshll.u32 v23, v1;
	v20 =	vbroadcast v20, $0x0;
	v24 =	vadd.s32 v16, v24;
	v34 =	vld [tilespmem:s28+$0xFFFFFFB0]  }
0x59: {  	v26 =	vadd.s32 v2, v26;
	v25 =	vshll.u32 v25, v1;
	v36 =	vld [tilespmem:s28+$0xFFFFFFC0];
	v27 =	vadd.f32 v27, v17  }
0x5a: {  	v35 =	vadd.s32 v3, v19;
	v19 =	vadd.s32 v4, v19;
	v37 =	vld [tilespmem:s28+$0xFFFFFFD0];
	v29 =	vadd.f32 v29, v17  }
0x5b: {  	v59 =	vadd.s32 v9, v22;
	v60 =	vld [tilespmem:s28+$0x20];
	v28 =	vadd.f32 v28, v18;
	[tilespmem:v30+s24+$0x0] =	vst.idx.msk $0xffff, v27  }
0x5c: {  	v21 =	vbroadcast v21, $0x0;
	v27 =	vadd.f32 v31, v18;
	v30 =	vadd.s32 v5, v20;
	v31 =	vld [tilespmem:s28+$0xFFFFFFE0];
	[tilespmem:v32+s24+$0x0] =	vst.idx.msk $0xffff, v29  }
0x5d: {  	v20 =	vadd.s32 v6, v20;
	[tilespmem:v24+s24+$0x0] =	vst.idx.msk $0xffff, v28;
	v24 =	vadd.f32 v33, v17;
	v28 =	vld [tilespmem:s28+$0xFFFFFFF0]  }
0x5e: {  	v23 =	vbroadcast v23, $0x0;
	v29 =	vld [tilespmem:s28+$0x0];
	[tilespmem:v26+s24+$0x0] =	vst.idx.msk $0xffff, v27;
	v26 =	vadd.f32 v34, v18;
	v27 =	vadd.s32 v7, v21  }
0x5f: {  	v21 =	vadd.s32 v8, v21;
	[tilespmem:v35+s24+$0x0] =	vst.idx.msk $0xffff, v24;
	v24 =	vadd.f32 v36, v17  }
0x60: {  	s29 =	simm.s32 $0x8;
	v61 =	vadd.s32 v11, v23;
	v58 =	vld [tilespmem:s28+$0x10];
	[tilespmem:v19+s24+$0x0] =	vst.idx.msk $0xffff, v26;
	v26 =	vadd.f32 v37, v18  }
0x61: {  	v57 =	vmov s29;
	v23 =	vadd.s32 v12, v23;
	[tilespmem:v30+s24+$0x0] =	vst.idx.msk $0xffff, v24;
	v24 =	vadd.f32 v31, v17;
	v31 =	vld [tilespmem:s28+$0x30]  }
0x62: {  	s29 =	simm.s32 $0x9;
	v62 =	vld [tilespmem:s28+$0x40];
	v30 =	vadd.s32 v10, v22;
	[tilespmem:v20+s24+$0x0] =	vst.idx.msk $0xffff, v26;
	v20 =	vadd.f32 v28, v18;
	v26 =	vbroadcast v25, $0x0  }
0x63: {  	v63 =	vadd.f32 v60, v17;
	v22 =	vmov s29;
	s29 =	simm.s32 $0xA;
	[tilespmem:v27+s24+$0x0] =	vst.idx.msk $0xffff, v24;
	v27 =	vadd.f32 v29, v17;
	v29 =	vld [tilespmem:s28+$0x50]  }
0x64: {  	v19 =	vshrl.u32 v57, $0x3;
	v24 =	vmov s29;
	s29 =	simm.s32 $0xB;
	[tilespmem:v21+s24+$0x0] =	vst.idx.msk $0xffff, v20;
	v21 =	vadd.s32 v13, v26  }
0x65: {  	s31 =	simm.s32 $0xD;
	[tilespmem:v61+s24+$0x0] =	vst.idx.msk $0xffff, v63;
	v28 =	vadd.f32 v58, v18;
	v25 =	vmov s29;
	s29 =	simm.s32 $0xC;
	v20 =	vadd.s32 v14, v26  }
0x66: {  	v26 =	vmov s31;
	s31 =	simm.s32 $0xF;
	[tilespmem:v59+s24+$0x0] =	vst.idx.msk $0xffff, v27;
	v27 =	vmov s29;
	s29 =	simm.s32 $0xE;
	v31 =	vadd.f32 v31, v18  }
0x67: {  	v32 =	vmov s31;
	[tilespmem:v30+s24+$0x0] =	vst.idx.msk $0xffff, v28;
	v28 =	vmov s29;
	s29 =	simm.s32 $0x10;
	v30 =	vadd.f32 v62, v17  }
.LBB2_3:
0x68: {  	p1 =	slt.u32 s29, $0x78;
	v19 =	vshll.u32 v19, v1;
	v32 =	vshrl.u32 v32, $0x3;
	[tilespmem:v23+s24+$0x0] =	vst.idx.msk $0xffff, v31;
	v23 =	vadd.f32 v29, v18  }
0x69: {  	v22 =	vshrl.u32 v22, $0x3;
	v24 =	vshrl.u32 v24, $0x3;
	s28 =	sadd.s32 $0x100, s28;
	v29 =	vshll.u32 v32, v1;
	[tilespmem:v21+s24+$0x0] =	vst.idx.msk $0xffff, v30  }
0x6a: {  	v21 =	vshrl.u32 v25, $0x3;
	v25 =	vshrl.u32 v27, $0x3;
	v27 =	vld [tilespmem:s28+$0x60];
	v29 =	vbroadcast v29, $0x0;
	[tilespmem:v20+s24+$0x0] =	vst.idx.msk $0xffff, v23  }
0x6b: {  	v19 =	vbroadcast v19, $0x0;
	v20 =	vshrl.u32 v26, $0x3;
	v23 =	vshrl.u32 v28, $0x3;
	v26 =	vld [tilespmem:s28+$0x70]  }
0x6c: {  	v22 =	vshll.u32 v22, v1;
	v24 =	vshll.u32 v24, v1;
	v28 =	vld [tilespmem:s28+$0xFFFFFF80];
	v30 =	vadd.s32 v15, v29  }
0x6d: {  	v21 =	vshll.u32 v21, v1;
	v25 =	vshll.u32 v25, v1;
	v29 =	vadd.s32 v16, v29;
	v31 =	vld [tilespmem:s28+$0xFFFFFF90]  }
0x6e: {  	v22 =	vbroadcast v22, $0x0;
	v32 =	vadd.s32 v0, v19;
	v20 =	vshll.u32 v20, v1;
	v33 =	vld [tilespmem:s28+$0xFFFFFFA0]  }
0x6f: {  	v19 =	vadd.s32 v2, v19;
	v23 =	vshll.u32 v23, v1;
	v34 =	vld [tilespmem:s28+$0xFFFFFFB0];
	v27 =	vadd.f32 v27, v17  }
0x70: {  	v24 =	vbroadcast v24, $0x0;
	v35 =	vadd.s32 v3, v22;
	v36 =	vld [tilespmem:s28+$0xFFFFFFC0];
	v26 =	vadd.f32 v26, v18  }
0x71: {  	v22 =	vadd.s32 v4, v22;
	v28 =	vadd.f32 v28, v17;
	v37 =	vld [tilespmem:s28+$0xFFFFFFD0];
	[tilespmem:v30+s24+$0x0] =	vst.idx.msk $0xffff, v27  }
0x72: {  	v21 =	vbroadcast v21, $0x0;
	v30 =	vadd.s32 v5, v24;
	v27 =	vadd.f32 v31, v18;
	v31 =	vld [tilespmem:s28+$0xFFFFFFE0];
	[tilespmem:v29+s24+$0x0] =	vst.idx.msk $0xffff, v26  }
0x73: {  	v24 =	vadd.s32 v6, v24;
	[tilespmem:v32+s24+$0x0] =	vst.idx.msk $0xffff, v28;
	v26 =	vadd.f32 v33, v17;
	v28 =	vld [tilespmem:s28+$0xFFFFFFF0]  }
0x74: {  	v25 =	vbroadcast v25, $0x0;
	[tilespmem:v19+s24+$0x0] =	vst.idx.msk $0xffff, v27;
	v19 =	vadd.f32 v34, v18;
	v27 =	vadd.s32 v7, v21;
	v29 =	vld [tilespmem:s28+$0x0]  }
0x75: {  	v32 =	vmov s29;
	v21 =	vadd.s32 v8, v21;
	[tilespmem:v35+s24+$0x0] =	vst.idx.msk $0xffff, v26;
	v26 =	vadd.f32 v36, v17;
	v33 =	vld [tilespmem:s28+$0x10]  }
0x76: {  	v20 =	vbroadcast v20, $0x0;
	v34 =	vadd.s32 v9, v25;
	[tilespmem:v22+s24+$0x0] =	vst.idx.msk $0xffff, v19;
	v22 =	vadd.f32 v37, v18;
	v35 =	vld [tilespmem:s28+$0x20]  }
0x77: {  	v19 =	vshrl.u32 v32, $0x3;
	[tilespmem:v30+s24+$0x0] =	vst.idx.msk $0xffff, v26;
	v26 =	vadd.f32 v31, v17;
	v30 =	vadd.s32 v10, v25;
	v31 =	vld [tilespmem:s28+$0x30]  }
0x78: {  	s30 =	sadd.s32 $0x1, s29;
	v36 =	vadd.s32 v11, v20;
	[tilespmem:v24+s24+$0x0] =	vst.idx.msk $0xffff, v22;
	v25 =	vadd.f32 v28, v18;
	v37 =	vld [tilespmem:s28+$0x40];
	v28 =	vbroadcast v23, $0x0  }
.Ltmp2:
0x79: {  	v22 =	vmov s30;
	s30 =	sadd.s32 $0x2, s29;
	v23 =	vadd.s32 v12, v20;
	[tilespmem:v27+s24+$0x0] =	vst.idx.msk $0xffff, v26;
	v26 =	vadd.f32 v29, v17;
	v29 =	vld [tilespmem:s28+$0x50];
	(pc) =	sbr.rel @p1 .LBB2_3-.Ltmp2, $4  }
0x7a: {  	v24 =	vmov s30;
	s30 =	sadd.s32 $0x3, s29;
	[tilespmem:v21+s24+$0x0] =	vst.idx.msk $0xffff, v25;
	v32 =	vadd.f32 v33, v18;
	v21 =	vadd.s32 v13, v28  }
0x7b: {  	s31 =	sadd.s32 $0x5, s29;
	v25 =	vmov s30;
	s30 =	sadd.s32 $0x4, s29;
	v20 =	vadd.s32 v14, v28;
	[tilespmem:v34+s24+$0x0] =	vst.idx.msk $0xffff, v26;
	v33 =	vadd.f32 v35, v17  }
0x7c: {  	v27 =	vmov s30;
	v26 =	vmov s31;
	s30 =	sadd.s32 $0x6, s29;
	s31 =	sadd.s32 $0x7, s29;
	[tilespmem:v30+s24+$0x0] =	vst.idx.msk $0xffff, v32;
	v31 =	vadd.f32 v31, v18  }
0x7d: {  	s29 =	sadd.s32 $0x8, s29;
	v28 =	vmov s30;
	v32 =	vmov s31;
	[tilespmem:v36+s24+$0x0] =	vst.idx.msk $0xffff, v33;
	v30 =	vadd.f32 v37, v17  }
0x7e: {  	_ =	sdelay $0x1  }
0x7f: {  	v19 =	vshll.u32 v19, v1;
	v32 =	vshrl.u32 v32, $0x3;
	v29 =	vadd.f32 v29, v18  }
0x80: {  	v22 =	vshrl.u32 v22, $0x3;
	v24 =	vshrl.u32 v24, $0x3;
	s28 =	sadd.s32 $0x100, s28;
	v25 =	vshrl.u32 v25, $0x3  }
0x81: {  	v27 =	vshrl.u32 v27, $0x3;
	[tilespmem:v23+s24+$0x0] =	vst.idx.msk $0xffff, v31;
	v32 =	vshll.u32 v32, v1;
	v19 =	vbroadcast v19, $0x0;
	v31 =	vld [tilespmem:s28+$0xFFFFFF80]  }
0x82: {  	v23 =	vshrl.u32 v26, $0x3;
	v33 =	vld [tilespmem:s28+$0x60];
	v22 =	vshll.u32 v22, v1;
	v32 =	vbroadcast v32, $0x0  }
0x83: {  	v26 =	vshrl.u32 v28, $0x3;
	v28 =	vld [tilespmem:s28+$0x70];
	v24 =	vshll.u32 v24, v1;
	[tilespmem:v21+s24+$0x0] =	vst.idx.msk $0xffff, v30;
	v21 =	vadd.s32 v0, v19  }
0x84: {  	v35 =	vld [tilespmem:s28+$0xFFFFFF90];
	v25 =	vshll.u32 v25, v1;
	v27 =	vshll.u32 v27, v1;
	v34 =	vadd.s32 v15, v32  }
0x85: {  	v30 =	vld [tilespmem:s28+$0xFFFFFFA0];
	v23 =	vshll.u32 v23, v1;
	v22 =	vbroadcast v22, $0x0;
	v32 =	vadd.s32 v16, v32  }
0x86: {  	v36 =	vld [tilespmem:s28+$0xFFFFFFB0];
	v26 =	vshll.u32 v26, v1;
	v19 =	vadd.s32 v2, v19;
	v31 =	vadd.f32 v31, v17  }
0x87: {  	[tilespmem:v20+s24+$0x0] =	vst.idx.msk $0xffff, v29;
	v29 =	vld [tilespmem:s28+$0xFFFFFFC0];
	v24 =	vbroadcast v24, $0x0;
	v20 =	vadd.s32 v3, v22;
	v33 =	vadd.f32 v33, v17  }
0x88: {  	v37 =	vld [tilespmem:s28+$0xFFFFFFD0];
	v22 =	vadd.s32 v4, v22;
	v28 =	vadd.f32 v28, v18;
	[tilespmem:v21+s24+$0x0] =	vst.idx.msk $0xffff, v31  }
0x89: {  	v49 =	vld [tilespmem:s28+$0xFFFFFFE0];
	v25 =	vbroadcast v25, $0x0;
	v48 =	vadd.s32 v5, v24;
	v47 =	vadd.f32 v35, v18;
	[tilespmem:v34+s24+$0x0] =	vst.idx.msk $0xffff, v33  }
0x8a: {  	v24 =	vadd.s32 v6, v24;
	v21 =	vadd.f32 v30, v17;
	[tilespmem:v32+s24+$0x0] =	vst.idx.msk $0xffff, v28;
	v28 =	vld [tilespmem:s28+$0xFFFFFFF0]  }
0x8b: {  	v27 =	vbroadcast v27, $0x0;
	v30 =	vadd.s32 v7, v25;
	v31 =	vld [tilespmem:s28+$0x0];
	[tilespmem:v19+s24+$0x0] =	vst.idx.msk $0xffff, v47;
	v19 =	vadd.f32 v36, v18  }
0x8c: {  	[tilespmem:v20+s24+$0x0] =	vst.idx.msk $0xffff, v21;
	v20 =	vadd.f32 v29, v17;
	v21 =	vadd.s32 v8, v25;
	v25 =	vld [tilespmem:s28+$0x10]  }
0x8d: {  	v23 =	vbroadcast v23, $0x0;
	v29 =	vld [tilespmem:s28+$0x20];
	[tilespmem:v22+s24+$0x0] =	vst.idx.msk $0xffff, v19;
	v19 =	vadd.f32 v37, v18;
	v22 =	vadd.s32 v9, v27  }
0x8e: {  	v50 =	vld [tilespmem:s28+$0x30];
	v27 =	vadd.s32 v10, v27;
	[tilespmem:v48+s24+$0x0] =	vst.idx.msk $0xffff, v20;
	v20 =	vadd.f32 v49, v17  }
0x8f: {  	v26 =	vbroadcast v26, $0x0;
	[tilespmem:v24+s24+$0x0] =	vst.idx.msk $0xffff, v19;
	v24 =	vadd.s32 v11, v23;
	v19 =	vadd.f32 v28, v18;
	v28 =	vld [tilespmem:s28+$0x40]  }
0x90: {  	v23 =	vadd.s32 v12, v23;
	[tilespmem:v30+s24+$0x0] =	vst.idx.msk $0xffff, v20;
	v20 =	vadd.f32 v31, v17;
	v30 =	vld [tilespmem:s28+$0x50]  }
0x91: {  	[tilespmem:v21+s24+$0x0] =	vst.idx.msk $0xffff, v19;
	v19 =	vadd.f32 v25, v18;
	v21 =	vadd.s32 v13, v26  }
0x92: {  	[tilespmem:v22+s24+$0x0] =	vst.idx.msk $0xffff, v20;
	v20 =	vadd.f32 v29, v17;
	v22 =	vadd.s32 v14, v26  }
0x93: {  	[tilespmem:v27+s24+$0x0] =	vst.idx.msk $0xffff, v19;
	v19 =	vadd.f32 v50, v18  }
0x94: {  	s30 =	sshll.u32 s26, $0x7;
	s28 =	sshll.u32 s26, $0x9;
	[tilespmem:v24+s24+$0x0] =	vst.idx.msk $0xffff, v20;
	v17 =	vadd.f32 v28, v17  }
0x95: {  	s26 =	sand.u32 $0xF00, s30;
	s28 =	sand.u32 $0xFFFC000, s28;
	v18 =	vadd.f32 v30, v18;
	[tilespmem:v23+s24+$0x0] =	vst.idx.msk $0xffff, v19  }
0x96: {  	s26 =	sor.u32 s26, s28;
	[tilespmem:v21+s24+$0x0] =	vst.idx.msk $0xffff, v17  }
0x97: {  	s28 =	sadd.s32 s3, s26;
	[tilespmem:v22+s24+$0x0] =	vst.idx.msk $0xffff, v18  }
0x98: {  	[hbm4b:s28+s4] =	stream.linear.scatter [tilespmem:s24], [sflag:$0x3], $0x80, $0x38;
	[tilespmem:$0x5C00] =	vst v63  }
0x99: {  	s30 =	simm.s32 $0x3A88;
	s29 =	sadd.s32 $0x10, s28  }
0x9a: {  	[hbm4b:s29+s4] =	stream.linear.scatter [tilespmem:s30], [sflag:$0x3], $0x80, $0x38;
	[tilespmem:$0x5C00] =	vst v63  }
0x9b: {  	s31 =	simm.s32 $0x3B10;
	s29 =	sadd.s32 $0x20, s28  }
0x9c: {  	[hbm4b:s29+s4] =	stream.linear.scatter [tilespmem:s31], [sflag:$0x3], $0x80, $0x38;
	[tilespmem:$0x5C00] =	vst v63  }
0x9d: {  	s29 =	sadd.s32 $0x30, s28;
	s31 =	simm.s32 $0x3B98  }
0x9e: {  	[hbm4b:s29+s4] =	stream.linear.scatter [tilespmem:s31], [sflag:$0x3], $0x80, $0x38;
	[tilespmem:$0x5C00] =	vst v63  }
0x9f: {  	s29 =	sadd.s32 $0x40, s28;
	s31 =	simm.s32 $0x3C20  }
0xa0: {  	[hbm4b:s29+s4] =	stream.linear.scatter [tilespmem:s31], [sflag:$0x3], $0x80, $0x38;
	[tilespmem:$0x5C00] =	vst v63  }
0xa1: {  	s29 =	sadd.s32 $0x50, s28;
	s31 =	simm.s32 $0x3CA8  }
0xa2: {  	[hbm4b:s29+s4] =	stream.linear.scatter [tilespmem:s31], [sflag:$0x3], $0x80, $0x38;
	[tilespmem:$0x5C00] =	vst v63  }
0xa3: {  	s29 =	sadd.s32 $0x60, s28;
	s31 =	simm.s32 $0x3D30  }
0xa4: {  	[hbm4b:s29+s4] =	stream.linear.scatter [tilespmem:s31], [sflag:$0x3], $0x80, $0x38;
	[tilespmem:$0x5C00] =	vst v63  }
0xa5: {  	s28 =	sadd.s32 $0x70, s28;
	s29 =	simm.s32 $0x3DB8  }
0xa6: {  	[hbm4b:s28+s4] =	stream.linear.scatter [tilespmem:s29], [sflag:$0x3], $0x80, $0x38;
	[tilespmem:$0x5C00] =	vst v63  }
0xa7: {  	s28 =	sadd.s32 s26, s10;
	s29 =	simm.s32 $0x3E40  }
0xa8: {  	[hbm4b:s28+s4] =	stream.linear.scatter [tilespmem:s29], [sflag:$0x3], $0x80, $0x38;
	[tilespmem:$0x5C00] =	vst v63  }
0xa9: {  	s31 =	simm.s32 $0x3EC8;
	s29 =	sadd.s32 $0x10, s28  }
0xaa: {  	[hbm4b:s29+s4] =	stream.linear.scatter [tilespmem:s31], [sflag:$0x3], $0x80, $0x38;
	[tilespmem:$0x5C00] =	vst v63  }
0xab: {  	s29 =	sadd.s32 $0x20, s28;
	s31 =	simm.s32 $0x3F50  }
0xac: {  	[hbm4b:s29+s4] =	stream.linear.scatter [tilespmem:s31], [sflag:$0x3], $0x80, $0x38;
	[tilespmem:$0x5C00] =	vst v63  }
0xad: {  	s29 =	sadd.s32 $0x30, s28;
	s31 =	simm.s32 $0x3FD8  }
0xae: {  	[hbm4b:s29+s4] =	stream.linear.scatter [tilespmem:s31], [sflag:$0x3], $0x80, $0x38;
	[tilespmem:$0x5C00] =	vst v63  }
0xaf: {  	s29 =	sadd.s32 $0x40, s28;
	s31 =	simm.s32 $0x4060  }
0xb0: {  	[hbm4b:s29+s4] =	stream.linear.scatter [tilespmem:s31], [sflag:$0x3], $0x80, $0x38;
	[tilespmem:$0x5C00] =	vst v63  }
0xb1: {  	s29 =	sadd.s32 $0x50, s28;
	s31 =	simm.s32 $0x40E8  }
0xb2: {  	[hbm4b:s29+s4] =	stream.linear.scatter [tilespmem:s31], [sflag:$0x3], $0x80, $0x38;
	[tilespmem:$0x5C00] =	vst v63  }
0xb3: {  	s29 =	sadd.s32 $0x60, s28;
	s31 =	simm.s32 $0x4170  }
0xb4: {  	[hbm4b:s29+s4] =	stream.linear.scatter [tilespmem:s31], [sflag:$0x3], $0x80, $0x38;
	[tilespmem:$0x5C00] =	vst v63  }
0xb5: {  	s28 =	sadd.s32 $0x70, s28;
	s29 =	simm.s32 $0x41F8  }
0xb6: {  	[hbm4b:s28+s4] =	stream.linear.scatter [tilespmem:s29], [sflag:$0x3], $0x80, $0x38;
	[tilespmem:$0x5C00] =	vst v63  }
0xb7: {  	s28 =	sadd.s32 s26, s11;
	s29 =	simm.s32 $0x4280  }
0xb8: {  	[hbm4b:s28+s4] =	stream.linear.scatter [tilespmem:s29], [sflag:$0x3], $0x80, $0x38;
	[tilespmem:$0x5C00] =	vst v63  }
0xb9: {  	s31 =	simm.s32 $0x4308;
	s29 =	sadd.s32 $0x10, s28  }
0xba: {  	[hbm4b:s29+s4] =	stream.linear.scatter [tilespmem:s31], [sflag:$0x3], $0x80, $0x38;
	[tilespmem:$0x5C00] =	vst v63  }
0xbb: {  	s29 =	sadd.s32 $0x20, s28;
	s31 =	simm.s32 $0x4390  }
0xbc: {  	[hbm4b:s29+s4] =	stream.linear.scatter [tilespmem:s31], [sflag:$0x3], $0x80, $0x38;
	[tilespmem:$0x5C00] =	vst v63  }
0xbd: {  	s29 =	sadd.s32 $0x30, s28;
	s31 =	simm.s32 $0x4418  }
0xbe: {  	[hbm4b:s29+s4] =	stream.linear.scatter [tilespmem:s31], [sflag:$0x3], $0x80, $0x38;
	[tilespmem:$0x5C00] =	vst v63  }
0xbf: {  	s29 =	sadd.s32 $0x40, s28;
	s31 =	simm.s32 $0x44A0  }
0xc0: {  	[hbm4b:s29+s4] =	stream.linear.scatter [tilespmem:s31], [sflag:$0x3], $0x80, $0x38;
	[tilespmem:$0x5C00] =	vst v63  }
0xc1: {  	s29 =	sadd.s32 $0x50, s28;
	s31 =	simm.s32 $0x4528  }
0xc2: {  	[hbm4b:s29+s4] =	stream.linear.scatter [tilespmem:s31], [sflag:$0x3], $0x80, $0x38;
	[tilespmem:$0x5C00] =	vst v63  }
0xc3: {  	s29 =	sadd.s32 $0x60, s28;
	s31 =	simm.s32 $0x45B0  }
0xc4: {  	[hbm4b:s29+s4] =	stream.linear.scatter [tilespmem:s31], [sflag:$0x3], $0x80, $0x38;
	[tilespmem:$0x5C00] =	vst v63  }
0xc5: {  	s28 =	sadd.s32 $0x70, s28;
	s29 =	simm.s32 $0x4638  }
0xc6: {  	[hbm4b:s28+s4] =	stream.linear.scatter [tilespmem:s29], [sflag:$0x3], $0x80, $0x38;
	[tilespmem:$0x5C00] =	vst v63  }
0xc7: {  	s26 =	sadd.s32 s26, s12;
	s28 =	simm.s32 $0x46C0  }
0xc8: {  	[hbm4b:s26+s4] =	stream.linear.scatter [tilespmem:s28], [sflag:$0x3], $0x80, $0x38;
	[tilespmem:$0x5C00] =	vst v63  }
0xc9: {  	s29 =	simm.s32 $0x4748;
	s28 =	sadd.s32 $0x10, s26  }
0xca: {  	[hbm4b:s28+s4] =	stream.linear.scatter [tilespmem:s29], [sflag:$0x3], $0x80, $0x38;
	[tilespmem:$0x5C00] =	vst v63  }
0xcb: {  	s28 =	sadd.s32 $0x20, s26;
	s29 =	simm.s32 $0x47D0  }
0xcc: {  	[hbm4b:s28+s4] =	stream.linear.scatter [tilespmem:s29], [sflag:$0x3], $0x80, $0x38;
	[tilespmem:$0x5C00] =	vst v63  }
0xcd: {  	s28 =	sadd.s32 $0x30, s26;
	s29 =	simm.s32 $0x4858  }
0xce: {  	[hbm4b:s28+s4] =	stream.linear.scatter [tilespmem:s29], [sflag:$0x3], $0x80, $0x38;
	[tilespmem:$0x5C00] =	vst v63  }
0xcf: {  	s28 =	sadd.s32 $0x40, s26;
	s29 =	simm.s32 $0x48E0  }
0xd0: {  	[hbm4b:s28+s4] =	stream.linear.scatter [tilespmem:s29], [sflag:$0x3], $0x80, $0x38;
	[tilespmem:$0x5C00] =	vst v63  }
0xd1: {  	s28 =	sadd.s32 $0x50, s26;
	s29 =	simm.s32 $0x4968  }
0xd2: {  	[hbm4b:s28+s4] =	stream.linear.scatter [tilespmem:s29], [sflag:$0x3], $0x80, $0x38;
	[tilespmem:$0x5C00] =	vst v63  }
0xd3: {  	s28 =	sadd.s32 $0x60, s26;
	s29 =	simm.s32 $0x49F0  }
0xd4: {  	[hbm4b:s28+s4] =	stream.linear.scatter [tilespmem:s29], [sflag:$0x3], $0x80, $0x38;
	[tilespmem:$0x5C00] =	vst v63  }
0xd5: {  	p1 =	seq.s32 s16, $0x63;
	s26 =	sadd.s32 $0x70, s26;
	s28 =	simm.s32 $0x4A78  }
0xd6: {  	[hbm4b:s26+s4] =	stream.linear.scatter [tilespmem:s28], [sflag:$0x3], $0x80, $0x38;
	[tilespmem:$0x5C00] =	vst v63  }
0xd7: {  	s26 =	sadd.s32 @!p1 s25, s13  }
0xd8: {  	s28 =	sshll.u32 @!p1 s26, $0x7;
	s29 =	sshll.u32 @!p1 s26, $0xA  }
0xd9: {  	s26 =	sshll.u32 @!p1 s26, $0x2;
	s28 =	sand.u32 @!p1 $0x7FFF8000, s28;
	s29 =	sand.u32 @!p1 $0x7800, s29  }
0xda: {  	s26 =	sand.u32 @!p1 $0x380, s26;
	s28 =	sor.u32 @!p1 s29, s28  }
0xdb: {  	s26 =	sor.u32 @!p1 s26, s28  }
0xdc: {  	s26 =	sshrl.u32 @!p1 s26, $0x3  }
0xdd: {  	s29 =	simm.s32 @!p1 $0x1900;
	s28 =	simm.s32 @!p1 $0x0;
	s26 =	sadd.s32 @!p1 s1, s26  }
0xde: {  	[tilespmem:s29], [sflag:$0x1] =	stream.linear.gather @!p1 [hbm4b:s26+s28], $0x80, $0x38;
	[tilespmem:$0x5C00] =	vst v63  }
0xdf: {  	s26 =	simm.s32 @!p1 $0x1  }
0xe0: {  	_ =	swait.ge @!p1 [sflag:s26], $0x80  }
0xe1: {  	[sflag:s26] =	ssyncset.done @!p1 $0x0  }
0xe2: {  	s28 =	simm.s32 @!p1 $0x1A00;
	[sflag:s26] =	ssyncadd.s32 @!p1 $0xFFFFFF80;
	s26 =	simm.s32 @!p1 $0x80  }
0xe3: {  	[tilespmem:s28], [sflag:$0x2] =	stream.indirect.gather @!p1 [hbm4b:s5+s26], $0x20, s29, s26, $0xb8;
	[tilespmem:$0x5C00] =	vst v63  }
0xe4: {  	_ =	swait.ge [sflag:s23], $0x1000  }
0xe5: {  	[sflag:s23] =	ssyncset.done $0x0  }
0xe6: {  	s28 =	simm.s32 @!p0 $0x3;
	[sflag:s23] =	ssyncadd.s32 $0xFFFFF000  }
0xe7: {  	_ =	swait.ge @!p0 [sflag:s28], $0x400  }
0xe8: {  	[sflag:s28] =	ssyncset.done @!p0 $0x0  }
0xe9: {  	[sflag:s28] =	ssyncadd.s32 @!p0 $0xFFFFFC00  }
0xea: {  	_ =	swait.ge @!p0 [sflag:s28], $0x400  }
0xeb: {  	[sflag:s28] =	ssyncset.done @!p0 $0x0  }
0xec: {  	[sflag:s28] =	ssyncadd.s32 @!p0 $0xFFFFFC00  }
0xed: {  	_ =	swait.ge @!p0 [sflag:s28], $0x400  }
0xee: {  	s31 =	simm.s32 $0x1;
	[sflag:s28] =	ssyncset.done @!p0 $0x0  }
0xef: {  	v19 =	vmov s31;
	s31 =	simm.s32 $0x4;
	[sflag:s28] =	ssyncadd.s32 @!p0 $0xFFFFFC00  }
0xf0: {  	s30 =	sadd.s32 s25, s7;
	v22 =	vmov s31;
	s31 =	simm.s32 $0x7;
	_ =	swait.ge @!p0 [sflag:s28], $0x400  }
0xf1: {  	s26 =	sadd.s32 $0x1, s30;
	s29 =	simm.s32 $0x0;
	[sflag:s28] =	ssyncset.done @!p0 $0x0  }
0xf2: {  	v24 =	vmov s31;
	v17 =	vmov s29;
	[sflag:s28] =	ssyncadd.s32 @!p0 $0xFFFFFC00;
	s28 =	sand.u32 $0x3FE0, s26  }
0xf3: {  	v19 =	vshrl.u32 v19, $0x3;
	v24 =	vshrl.u32 v24, $0x3;
	v18 =	vshrl.u32 v17, $0x3;
	v17 =	vld [tilespmem:s28+$0x0]  }
0xf4: {  	v19 =	vshll.u32 v19, v1;
	v24 =	vshll.u32 v24, v1;
	v26 =	vshll.u32 v18, v1;
	v18 =	vld [tilespmem:s28+$0x10];
	s28 =	simm.s32 $0x2AF0  }
0xf5: {  	v19 =	vbroadcast v19, $0x0;
	v24 =	vbroadcast v24, $0x0;
	v27 =	vld [tilespmem:s28+$0xFFFFFFF0]  }
0xf6: {  	v22 =	vshrl.u32 v22, $0x3;
	v26 =	vbroadcast v26, $0x0;
	v29 =	vld [tilespmem:s28+$0xFFFFFF10]  }
0xf7: {  	v22 =	vshll.u32 v22, v1;
	v54 =	vadd.s32 v3, v19;
	v30 =	vadd.s32 v15, v24;
	s29 =	simm.s32 $0x2;
	v28 =	vld [tilespmem:s28+$0x0]  }
0xf8: {  	v19 =	vadd.s32 v4, v19;
	s30 =	simm.s32 $0x3;
	v20 =	vmov s29;
	v51 =	vadd.s32 v0, v26;
	v31 =	vld [tilespmem:s28+$0xFFFFFF20]  }
0xf9: {  	v24 =	vadd.s32 v16, v24;
	v21 =	vmov s30;
	v20 =	vshrl.u32 v20, $0x3;
	v52 =	vld [tilespmem:s28+$0xFFFFFF30]  }
0xfa: {  	v20 =	vshll.u32 v20, v1;
	v26 =	vadd.s32 v2, v26;
	v53 =	vld [tilespmem:s28+$0xFFFFFF40];
	v27 =	vadd.f32 v27, v17  }
0xfb: {  	s29 =	simm.s32 $0x5;
	v21 =	vshrl.u32 v21, $0x3;
	v20 =	vbroadcast v20, $0x0;
	v55 =	vld [tilespmem:s28+$0xFFFFFF50];
	v29 =	vadd.f32 v29, v17  }
0xfc: {  	v23 =	vmov s29;
	v21 =	vshll.u32 v21, v1;
	v28 =	vadd.f32 v28, v18;
	[tilespmem:v30+s22+$0x0] =	vst.idx.msk $0xffff, v27  }
0xfd: {  	v23 =	vshrl.u32 v23, $0x3;
	v56 =	vld [tilespmem:s28+$0xFFFFFF60];
	v27 =	vadd.f32 v31, v18;
	v30 =	vadd.s32 v5, v20;
	[tilespmem:v51+s22+$0x0] =	vst.idx.msk $0xffff, v29  }
0xfe: {  	v21 =	vbroadcast v21, $0x0;
	v23 =	vshll.u32 v23, v1;
	v31 =	vld [tilespmem:s28+$0xFFFFFF70];
	[tilespmem:v24+s22+$0x0] =	vst.idx.msk $0xffff, v28;
	v24 =	vadd.f32 v52, v17  }
0xff: {  	v22 =	vbroadcast v22, $0x0;
	v20 =	vadd.s32 v6, v20;
	v29 =	vld [tilespmem:s28+$0xFFFFFF90];
	[tilespmem:v26+s22+$0x0] =	vst.idx.msk $0xffff, v27;
	v26 =	vadd.f32 v53, v18  }
0x100: {  	v59 =	vld [tilespmem:s28+$0xFFFFFFA0];
	v27 =	vadd.s32 v7, v21;
	[tilespmem:v54+s22+$0x0] =	vst.idx.msk $0xffff, v24;
	v24 =	vadd.f32 v55, v17  }
0x101: {  	s29 =	simm.s32 $0x6;
	v58 =	vadd.s32 v8, v21;
	v28 =	vld [tilespmem:s28+$0xFFFFFF80];
	[tilespmem:v19+s22+$0x0] =	vst.idx.msk $0xffff, v26;
	v26 =	vadd.s32 v9, v22  }
0x102: {  	v25 =	vmov s29;
	v21 =	vadd.f32 v56, v18;
	[tilespmem:v30+s22+$0x0] =	vst.idx.msk $0xffff, v24;
	v30 =	vadd.s32 v10, v22  }
0x103: {  	s29 =	simm.s32 $0x8;
	v25 =	vshrl.u32 v25, $0x3;
	v61 =	vbroadcast v23, $0x0;
	v24 =	vadd.f32 v31, v17  }
0x104: {  	v57 =	vmov s29;
	s29 =	simm.s32 $0x9;
	v25 =	vshll.u32 v25, v1;
	v60 =	vld [tilespmem:s28+$0xFFFFFFB0];
	v22 =	vadd.f32 v29, v17;
	[tilespmem:v20+s22+$0x0] =	vst.idx.msk $0xffff, v21  }
0x105: {  	v62 =	vadd.s32 v11, v61;
	v19 =	vmov s29;
	s29 =	simm.s32 $0xA;
	v31 =	vld [tilespmem:s28+$0xFFFFFFC0];
	v29 =	vadd.f32 v59, v18;
	[tilespmem:v27+s22+$0x0] =	vst.idx.msk $0xffff, v24  }
0x106: {  	v38 =	vld [tilespmem:s28+$0xFFFFFFD0];
	v23 =	vmov s29;
	s29 =	simm.s32 $0xB;
	v20 =	vadd.f32 v28, v18;
	v28 =	vbroadcast v25, $0x0;
	[tilespmem:v26+s22+$0x0] =	vst.idx.msk $0xffff, v22  }
0x107: {  	v25 =	vadd.s32 v12, v61;
	v24 =	vmov s29;
	s29 =	simm.s32 $0xC;
	[tilespmem:v30+s22+$0x0] =	vst.idx.msk $0xffff, v29;
	v29 =	vld [tilespmem:s28+$0xFFFFFFE0]  }
0x108: {  	v27 =	vmov s29;
	s29 =	simm.s32 $0xD;
	v22 =	vadd.s32 v13, v28  }
0x109: {  	v63 =	vadd.f32 v60, v17;
	[tilespmem:v58+s22+$0x0] =	vst.idx.msk $0xffff, v20;
	v20 =	vadd.s32 v14, v28;
	v26 =	vmov s29;
	s29 =	simm.s32 $0xE  }
0x10a: {  	v28 =	vmov s29;
	s29 =	simm.s32 $0xF;
	v31 =	vadd.f32 v31, v18  }
0x10b: {  	[tilespmem:v62+s22+$0x0] =	vst.idx.msk $0xffff, v63;
	v21 =	vshrl.u32 v57, $0x3;
	v30 =	vadd.f32 v38, v17;
	v32 =	vmov s29;
	s29 =	simm.s32 $0x10  }
.LBB2_5:
0x10c: {  	p0 =	slt.u32 s29, $0x78;
	v21 =	vshll.u32 v21, v1;
	v32 =	vshrl.u32 v32, $0x3;
	[tilespmem:v25+s22+$0x0] =	vst.idx.msk $0xffff, v31;
	v25 =	vadd.f32 v29, v18  }
0x10d: {  	v19 =	vshrl.u32 v19, $0x3;
	v23 =	vshrl.u32 v23, $0x3;
	s28 =	sadd.s32 $0x100, s28;
	v29 =	vshll.u32 v32, v1;
	[tilespmem:v22+s22+$0x0] =	vst.idx.msk $0xffff, v30  }
0x10e: {  	v22 =	vshrl.u32 v24, $0x3;
	v24 =	vshrl.u32 v27, $0x3;
	v27 =	vld [tilespmem:s28+$0xFFFFFFF0];
	v29 =	vbroadcast v29, $0x0;
	[tilespmem:v20+s22+$0x0] =	vst.idx.msk $0xffff, v25  }
0x10f: {  	v20 =	vbroadcast v21, $0x0;
	v21 =	vshrl.u32 v26, $0x3;
	v25 =	vshrl.u32 v28, $0x3;
	v26 =	vld [tilespmem:s28+$0x0]  }
0x110: {  	v19 =	vshll.u32 v19, v1;
	v23 =	vshll.u32 v23, v1;
	v28 =	vld [tilespmem:s28+$0xFFFFFF10];
	v30 =	vadd.s32 v15, v29  }
0x111: {  	v22 =	vshll.u32 v22, v1;
	v24 =	vshll.u32 v24, v1;
	v29 =	vadd.s32 v16, v29;
	v31 =	vld [tilespmem:s28+$0xFFFFFF20]  }
0x112: {  	v19 =	vbroadcast v19, $0x0;
	v21 =	vshll.u32 v21, v1;
	v32 =	vadd.s32 v0, v20;
	v33 =	vld [tilespmem:s28+$0xFFFFFF30]  }
0x113: {  	v25 =	vshll.u32 v25, v1;
	v20 =	vadd.s32 v2, v20;
	v34 =	vld [tilespmem:s28+$0xFFFFFF40];
	v27 =	vadd.f32 v27, v17  }
0x114: {  	v23 =	vbroadcast v23, $0x0;
	v35 =	vadd.s32 v3, v19;
	v36 =	vld [tilespmem:s28+$0xFFFFFF50];
	v26 =	vadd.f32 v26, v18  }
0x115: {  	v19 =	vadd.s32 v4, v19;
	v28 =	vadd.f32 v28, v17;
	v37 =	vld [tilespmem:s28+$0xFFFFFF60];
	[tilespmem:v30+s22+$0x0] =	vst.idx.msk $0xffff, v27  }
0x116: {  	v22 =	vbroadcast v22, $0x0;
	v30 =	vadd.s32 v5, v23;
	v27 =	vadd.f32 v31, v18;
	v31 =	vld [tilespmem:s28+$0xFFFFFF70];
	[tilespmem:v29+s22+$0x0] =	vst.idx.msk $0xffff, v26  }
0x117: {  	v23 =	vadd.s32 v6, v23;
	[tilespmem:v32+s22+$0x0] =	vst.idx.msk $0xffff, v28;
	v26 =	vadd.f32 v33, v17;
	v28 =	vld [tilespmem:s28+$0xFFFFFF80]  }
0x118: {  	v24 =	vbroadcast v24, $0x0;
	[tilespmem:v20+s22+$0x0] =	vst.idx.msk $0xffff, v27;
	v20 =	vadd.f32 v34, v18;
	v27 =	vadd.s32 v7, v22;
	v29 =	vld [tilespmem:s28+$0xFFFFFF90]  }
0x119: {  	v32 =	vmov s29;
	v22 =	vadd.s32 v8, v22;
	[tilespmem:v35+s22+$0x0] =	vst.idx.msk $0xffff, v26;
	v26 =	vadd.f32 v36, v17;
	v33 =	vld [tilespmem:s28+$0xFFFFFFA0]  }
0x11a: {  	v35 =	vbroadcast v21, $0x0;
	[tilespmem:v19+s22+$0x0] =	vst.idx.msk $0xffff, v20;
	v19 =	vadd.f32 v37, v18;
	v20 =	vadd.s32 v9, v24;
	v34 =	vld [tilespmem:s28+$0xFFFFFFB0]  }
0x11b: {  	v21 =	vshrl.u32 v32, $0x3;
	[tilespmem:v30+s22+$0x0] =	vst.idx.msk $0xffff, v26;
	v26 =	vadd.f32 v31, v17;
	v30 =	vadd.s32 v10, v24;
	v31 =	vld [tilespmem:s28+$0xFFFFFFC0]  }
0x11c: {  	s30 =	sadd.s32 $0x1, s29;
	v36 =	vadd.s32 v11, v35;
	[tilespmem:v23+s22+$0x0] =	vst.idx.msk $0xffff, v19;
	v24 =	vadd.f32 v28, v18;
	v37 =	vld [tilespmem:s28+$0xFFFFFFD0];
	v28 =	vbroadcast v25, $0x0  }
.Ltmp3:
0x11d: {  	v19 =	vmov s30;
	s30 =	sadd.s32 $0x2, s29;
	v25 =	vadd.s32 v12, v35;
	[tilespmem:v27+s22+$0x0] =	vst.idx.msk $0xffff, v26;
	v26 =	vadd.f32 v29, v17;
	v29 =	vld [tilespmem:s28+$0xFFFFFFE0];
	(pc) =	sbr.rel @p0 .LBB2_5-.Ltmp3, $4  }
0x11e: {  	v23 =	vmov s30;
	s30 =	sadd.s32 $0x3, s29;
	[tilespmem:v22+s22+$0x0] =	vst.idx.msk $0xffff, v24;
	v32 =	vadd.f32 v33, v18;
	v22 =	vadd.s32 v13, v28  }
0x11f: {  	s31 =	sadd.s32 $0x5, s29;
	v24 =	vmov s30;
	s30 =	sadd.s32 $0x4, s29;
	[tilespmem:v20+s22+$0x0] =	vst.idx.msk $0xffff, v26;
	v33 =	vadd.f32 v34, v17;
	v20 =	vadd.s32 v14, v28  }
0x120: {  	v27 =	vmov s30;
	v26 =	vmov s31;
	s30 =	sadd.s32 $0x6, s29;
	s31 =	sadd.s32 $0x7, s29;
	[tilespmem:v30+s22+$0x0] =	vst.idx.msk $0xffff, v32;
	v31 =	vadd.f32 v31, v18  }
0x121: {  	s29 =	sadd.s32 $0x8, s29;
	v28 =	vmov s30;
	v32 =	vmov s31;
	[tilespmem:v36+s22+$0x0] =	vst.idx.msk $0xffff, v33;
	v30 =	vadd.f32 v37, v17  }
0x122: {  	v21 =	vshll.u32 v21, v1;
	v32 =	vshrl.u32 v32, $0x3  }
0x123: {  	v29 =	vadd.f32 v29, v18;
	v19 =	vshrl.u32 v19, $0x3;
	v23 =	vshrl.u32 v23, $0x3;
	s28 =	sadd.s32 $0x100, s28  }
0x124: {  	v24 =	vshrl.u32 v24, $0x3;
	v27 =	vshrl.u32 v27, $0x3;
	v58 =	vshrl.u32 v26, $0x3;
	v33 =	vld [tilespmem:s28+$0xFFFFFFF0]  }
0x125: {  	v59 =	vshrl.u32 v28, $0x3;
	v32 =	vshll.u32 v32, v1;
	v21 =	vbroadcast v21, $0x0;
	v61 =	vld [tilespmem:s28+$0xFFFFFF10]  }
0x126: {  	v60 =	vld [tilespmem:s28+$0x0];
	v19 =	vshll.u32 v19, v1;
	v23 =	vshll.u32 v23, v1;
	v32 =	vbroadcast v32, $0x0  }
0x127: {  	v35 =	vld [tilespmem:s28+$0xFFFFFF20];
	v24 =	vshll.u32 v24, v1;
	v27 =	vshll.u32 v27, v1;
	v62 =	vadd.s32 v0, v21  }
0x128: {  	[tilespmem:v25+s22+$0x0] =	vst.idx.msk $0xffff, v31;
	v63 =	vld [tilespmem:s28+$0xFFFFFF30];
	v25 =	vshll.u32 v58, v1;
	v19 =	vbroadcast v19, $0x0;
	v34 =	vadd.s32 v15, v32  }
0x129: {  	v26 =	vshll.u32 v59, v1;
	v41 =	vld [tilespmem:s28+$0xFFFFFF50];
	v23 =	vbroadcast v23, $0x0;
	v21 =	vadd.s32 v2, v21  }
0x12a: {  	[tilespmem:v22+s22+$0x0] =	vst.idx.msk $0xffff, v30;
	v44 =	vld [tilespmem:s28+$0xFFFFFF70];
	v24 =	vbroadcast v24, $0x0;
	v40 =	vadd.s32 v3, v19;
	v31 =	vadd.f32 v61, v17  }
0x12b: {  	v36 =	vld [tilespmem:s28+$0xFFFFFF40];
	[tilespmem:v20+s22+$0x0] =	vst.idx.msk $0xffff, v29;
	v43 =	vadd.s32 v5, v23;
	v33 =	vadd.f32 v33, v17  }
0x12c: {  	v49 =	vld [tilespmem:s28+$0xFFFFFF90];
	v27 =	vbroadcast v27, $0x0;
	v48 =	vadd.s32 v7, v24;
	v42 =	vadd.f32 v35, v18;
	[tilespmem:v62+s22+$0x0] =	vst.idx.msk $0xffff, v31  }
0x12d: {  	v37 =	vld [tilespmem:s28+$0xFFFFFF60];
	v19 =	vadd.s32 v4, v19;
	v45 =	vadd.f32 v63, v17;
	[tilespmem:v34+s22+$0x0] =	vst.idx.msk $0xffff, v33  }
0x12e: {  	v53 =	vadd.s32 v9, v27;
	v50 =	vadd.f32 v41, v17;
	[tilespmem:v21+s22+$0x0] =	vst.idx.msk $0xffff, v42  }
0x12f: {  	v46 =	vld [tilespmem:s28+$0xFFFFFF80];
	v23 =	vadd.s32 v6, v23;
	v55 =	vadd.f32 v44, v17;
	[tilespmem:v40+s22+$0x0] =	vst.idx.msk $0xffff, v45  }
0x130: {  	v54 =	vld [tilespmem:s28+$0xFFFFFFB0];
	v25 =	vbroadcast v25, $0x0;
	v32 =	vadd.s32 v16, v32;
	v47 =	vadd.f32 v36, v18;
	[tilespmem:v43+s22+$0x0] =	vst.idx.msk $0xffff, v50  }
0x131: {  	v52 =	vld [tilespmem:s28+$0xFFFFFFA0];
	v51 =	vadd.s32 v8, v24;
	v59 =	vadd.f32 v49, v17;
	[tilespmem:v48+s22+$0x0] =	vst.idx.msk $0xffff, v55  }
0x132: {  	v58 =	vld [tilespmem:s28+$0xFFFFFFD0];
	v26 =	vbroadcast v26, $0x0;
	v57 =	vadd.s32 v11, v25;
	[tilespmem:v19+s22+$0x0] =	vst.idx.msk $0xffff, v47;
	v19 =	vadd.f32 v37, v18  }
0x133: {  	v56 =	vld [tilespmem:s28+$0xFFFFFFC0];
	v27 =	vadd.s32 v10, v27;
	v28 =	vadd.f32 v60, v18;
	[tilespmem:v53+s22+$0x0] =	vst.idx.msk $0xffff, v59  }
0x134: {  	v60 =	vld [tilespmem:s28+$0xFFFFFFE0];
	v61 =	vadd.s32 v13, v26;
	[tilespmem:v23+s22+$0x0] =	vst.idx.msk $0xffff, v19;
	v19 =	vadd.f32 v46, v18  }
0x135: {  	v25 =	vadd.s32 v12, v25;
	v62 =	vadd.f32 v54, v17;
	[tilespmem:v32+s22+$0x0] =	vst.idx.msk $0xffff, v28  }
0x136: {  	v63 =	vadd.s32 v14, v26;
	[tilespmem:v51+s22+$0x0] =	vst.idx.msk $0xffff, v19;
	v19 =	vadd.f32 v52, v18  }
0x137: {  	v17 =	vadd.f32 v58, v17;
	[tilespmem:v57+s22+$0x0] =	vst.idx.msk $0xffff, v62  }
0x138: {  	s29 =	sshll.u32 s26, $0x9;
	s30 =	sshll.u32 s26, $0x7;
	[tilespmem:v27+s22+$0x0] =	vst.idx.msk $0xffff, v19;
	v19 =	vadd.f32 v56, v18  }
0x139: {  	s26 =	sand.u32 $0xF80, s30;
	s28 =	sand.u32 $0xFFFC000, s29;
	[tilespmem:v61+s22+$0x0] =	vst.idx.msk $0xffff, v17;
	v18 =	vadd.f32 v60, v18  }
0x13a: {  	s26 =	sor.u32 s26, s28;
	[tilespmem:v25+s22+$0x0] =	vst.idx.msk $0xffff, v19  }
0x13b: {  	s28 =	sadd.s32 s3, s26;
	[tilespmem:v63+s22+$0x0] =	vst.idx.msk $0xffff, v18  }
0x13c: {  	[hbm4b:s28+s4] =	stream.linear.scatter [tilespmem:s22], [sflag:$0x3], $0x80, $0x38;
	[tilespmem:$0x5C00] =	vst v63  }
0x13d: {  	s30 =	simm.s32 $0x4B88;
	s29 =	sadd.s32 $0x10, s28  }
0x13e: {  	[hbm4b:s29+s4] =	stream.linear.scatter [tilespmem:s30], [sflag:$0x3], $0x80, $0x38;
	[tilespmem:$0x5C00] =	vst v63  }
0x13f: {  	s31 =	simm.s32 $0x4C10;
	s29 =	sadd.s32 $0x20, s28  }
0x140: {  	[hbm4b:s29+s4] =	stream.linear.scatter [tilespmem:s31], [sflag:$0x3], $0x80, $0x38;
	[tilespmem:$0x5C00] =	vst v63  }
0x141: {  	s29 =	sadd.s32 $0x30, s28;
	s31 =	simm.s32 $0x4C98  }
0x142: {  	[hbm4b:s29+s4] =	stream.linear.scatter [tilespmem:s31], [sflag:$0x3], $0x80, $0x38;
	[tilespmem:$0x5C00] =	vst v63  }
0x143: {  	s29 =	sadd.s32 $0x40, s28;
	s31 =	simm.s32 $0x4D20  }
0x144: {  	[hbm4b:s29+s4] =	stream.linear.scatter [tilespmem:s31], [sflag:$0x3], $0x80, $0x38;
	[tilespmem:$0x5C00] =	vst v63  }
0x145: {  	s29 =	sadd.s32 $0x50, s28;
	s31 =	simm.s32 $0x4DA8  }
0x146: {  	[hbm4b:s29+s4] =	stream.linear.scatter [tilespmem:s31], [sflag:$0x3], $0x80, $0x38;
	[tilespmem:$0x5C00] =	vst v63  }
0x147: {  	s29 =	sadd.s32 $0x60, s28;
	s31 =	simm.s32 $0x4E30  }
0x148: {  	[hbm4b:s29+s4] =	stream.linear.scatter [tilespmem:s31], [sflag:$0x3], $0x80, $0x38;
	[tilespmem:$0x5C00] =	vst v63  }
0x149: {  	s28 =	sadd.s32 $0x70, s28;
	s31 =	simm.s32 $0x4EB8  }
0x14a: {  	[hbm4b:s28+s4] =	stream.linear.scatter [tilespmem:s31], [sflag:$0x3], $0x80, $0x38;
	[tilespmem:$0x5C00] =	vst v63  }
0x14b: {  	s30 =	simm.s32 $0x4F40;
	s28 =	sadd.s32 s26, s10  }
0x14c: {  	[hbm4b:s28+s4] =	stream.linear.scatter [tilespmem:s30], [sflag:$0x3], $0x80, $0x38;
	[tilespmem:$0x5C00] =	vst v63  }
0x14d: {  	s31 =	simm.s32 $0x4FC8;
	s29 =	sadd.s32 $0x10, s28  }
0x14e: {  	[hbm4b:s29+s4] =	stream.linear.scatter [tilespmem:s31], [sflag:$0x3], $0x80, $0x38;
	[tilespmem:$0x5C00] =	vst v63  }
0x14f: {  	s29 =	sadd.s32 $0x20, s28;
	s31 =	simm.s32 $0x5050  }
0x150: {  	[hbm4b:s29+s4] =	stream.linear.scatter [tilespmem:s31], [sflag:$0x3], $0x80, $0x38;
	[tilespmem:$0x5C00] =	vst v63  }
0x151: {  	s29 =	sadd.s32 $0x30, s28;
	s31 =	simm.s32 $0x50D8  }
0x152: {  	[hbm4b:s29+s4] =	stream.linear.scatter [tilespmem:s31], [sflag:$0x3], $0x80, $0x38;
	[tilespmem:$0x5C00] =	vst v63  }
0x153: {  	s29 =	sadd.s32 $0x40, s28;
	s31 =	simm.s32 $0x5160  }
0x154: {  	[hbm4b:s29+s4] =	stream.linear.scatter [tilespmem:s31], [sflag:$0x3], $0x80, $0x38;
	[tilespmem:$0x5C00] =	vst v63  }
0x155: {  	s29 =	sadd.s32 $0x50, s28;
	s31 =	simm.s32 $0x51E8  }
0x156: {  	[hbm4b:s29+s4] =	stream.linear.scatter [tilespmem:s31], [sflag:$0x3], $0x80, $0x38;
	[tilespmem:$0x5C00] =	vst v63  }
0x157: {  	s29 =	sadd.s32 $0x60, s28;
	s31 =	simm.s32 $0x5270  }
0x158: {  	[hbm4b:s29+s4] =	stream.linear.scatter [tilespmem:s31], [sflag:$0x3], $0x80, $0x38;
	[tilespmem:$0x5C00] =	vst v63  }
0x159: {  	s28 =	sadd.s32 $0x70, s28;
	s31 =	simm.s32 $0x52F8  }
0x15a: {  	[hbm4b:s28+s4] =	stream.linear.scatter [tilespmem:s31], [sflag:$0x3], $0x80, $0x38;
	[tilespmem:$0x5C00] =	vst v63  }
0x15b: {  	s30 =	simm.s32 $0x5380;
	s28 =	sadd.s32 s26, s11  }
0x15c: {  	[hbm4b:s28+s4] =	stream.linear.scatter [tilespmem:s30], [sflag:$0x3], $0x80, $0x38;
	[tilespmem:$0x5C00] =	vst v63  }
0x15d: {  	s31 =	simm.s32 $0x5408;
	s29 =	sadd.s32 $0x10, s28  }
0x15e: {  	[hbm4b:s29+s4] =	stream.linear.scatter [tilespmem:s31], [sflag:$0x3], $0x80, $0x38;
	[tilespmem:$0x5C00] =	vst v63  }
0x15f: {  	s29 =	sadd.s32 $0x20, s28;
	s31 =	simm.s32 $0x5490  }
0x160: {  	[hbm4b:s29+s4] =	stream.linear.scatter [tilespmem:s31], [sflag:$0x3], $0x80, $0x38;
	[tilespmem:$0x5C00] =	vst v63  }
0x161: {  	s29 =	sadd.s32 $0x30, s28;
	s31 =	simm.s32 $0x5518  }
0x162: {  	[hbm4b:s29+s4] =	stream.linear.scatter [tilespmem:s31], [sflag:$0x3], $0x80, $0x38;
	[tilespmem:$0x5C00] =	vst v63  }
0x163: {  	s29 =	sadd.s32 $0x40, s28;
	s31 =	simm.s32 $0x55A0  }
0x164: {  	[hbm4b:s29+s4] =	stream.linear.scatter [tilespmem:s31], [sflag:$0x3], $0x80, $0x38;
	[tilespmem:$0x5C00] =	vst v63  }
0x165: {  	s29 =	sadd.s32 $0x50, s28;
	s31 =	simm.s32 $0x5628  }
0x166: {  	[hbm4b:s29+s4] =	stream.linear.scatter [tilespmem:s31], [sflag:$0x3], $0x80, $0x38;
	[tilespmem:$0x5C00] =	vst v63  }
0x167: {  	s29 =	sadd.s32 $0x60, s28;
	s31 =	simm.s32 $0x56B0  }
0x168: {  	[hbm4b:s29+s4] =	stream.linear.scatter [tilespmem:s31], [sflag:$0x3], $0x80, $0x38;
	[tilespmem:$0x5C00] =	vst v63  }
0x169: {  	s28 =	sadd.s32 $0x70, s28;
	s31 =	simm.s32 $0x5738  }
0x16a: {  	[hbm4b:s28+s4] =	stream.linear.scatter [tilespmem:s31], [sflag:$0x3], $0x80, $0x38;
	[tilespmem:$0x5C00] =	vst v63  }
0x16b: {  	s26 =	sadd.s32 s26, s12  }
0x16c: {  	[hbm4b:s26+s4] =	stream.linear.scatter [tilespmem:s0], [sflag:$0x3], $0x80, $0x38;
	[tilespmem:$0x5C00] =	vst v63  }
0x16d: {  	s29 =	sadd.s32 $0x10, s26  }
0x16e: {  	[hbm4b:s29+s4] =	stream.linear.scatter [tilespmem:s21], [sflag:$0x3], $0x80, $0x38;
	[tilespmem:$0x5C00] =	vst v63  }
0x16f: {  	s30 =	sadd.s32 $0x20, s26  }
0x170: {  	[hbm4b:s30+s4] =	stream.linear.scatter [tilespmem:s17], [sflag:$0x3], $0x80, $0x38;
	[tilespmem:$0x5C00] =	vst v63  }
0x171: {  	s31 =	sadd.s32 $0x30, s26  }
0x172: {  	[hbm4b:s31+s4] =	stream.linear.scatter [tilespmem:s6], [sflag:$0x3], $0x80, $0x38;
	[tilespmem:$0x5C00] =	vst v63  }
0x173: {  	s29 =	sadd.s32 $0x40, s26  }
0x174: {  	[hbm4b:s29+s4] =	stream.linear.scatter [tilespmem:s9], [sflag:$0x3], $0x80, $0x38;
	[tilespmem:$0x5C00] =	vst v63  }
0x175: {  	s30 =	sadd.s32 $0x50, s26  }
0x176: {  	[hbm4b:s30+s4] =	stream.linear.scatter [tilespmem:s20], [sflag:$0x3], $0x80, $0x38;
	[tilespmem:$0x5C00] =	vst v63  }
.Ltmp4:
0x177: {  	_ = 	snop;
	(pc) =	sbr.rel @p1 .LBB2_8-.Ltmp4, $4  }
0x178: {  	s31 =	sadd.s32 $0x60, s26  }
0x179: {  	[hbm4b:s31+s4] =	stream.linear.scatter [tilespmem:s15], [sflag:$0x3], $0x80, $0x38;
	[tilespmem:$0x5C00] =	vst v63  }
0x17a: {  	s26 =	sadd.s32 $0x70, s26  }
0x17b: {  	[hbm4b:s26+s4] =	stream.linear.scatter [tilespmem:s8], [sflag:$0x3], $0x80, $0x38;
	[tilespmem:$0x5C00] =	vst v63  }
0x17c: {  	s25 =	sadd.s32 s25, s14  }
0x17d: {  	s26 =	sshll.u32 s25, $0x7;
	s28 =	sshll.u32 s25, $0xA  }
0x17e: {  	s25 =	sshll.u32 s25, $0x2;
	s26 =	sand.u32 $0x7FFF8000, s26;
	s28 =	sand.u32 $0x7C00, s28  }
0x17f: {  	s25 =	sand.u32 $0x380, s25;
	s26 =	sor.u32 s28, s26  }
0x180: {  	s25 =	sor.u32 s25, s26  }
0x181: {  	s25 =	sshrl.u32 s25, $0x3  }
0x182: {  	s25 =	sadd.s32 s1, s25  }
0x183: {  	[tilespmem:s18], [sflag:$0x1] =	stream.linear.gather [hbm4b:s25+s4], $0x80, $0x38;
	[tilespmem:$0x5C00] =	vst v63  }
.Ltmp5:
0x184: {  	_ = 	snop;
	(pc) =	sbr.rel .LBB2_2-.Ltmp5, $4  }
0x185: {  	_ =	swait.ge [sflag:s19], $0x80  }
0x186: {  	[sflag:s19] =	ssyncset.done $0x0  }
0x187: {  	s31 =	simm.s32 $0x2A00;
	s16 =	sadd.s32 $0x1, s16;
	[sflag:s19] =	ssyncadd.s32 $0xFFFFFF80  }
0x188: {  	[tilespmem:s31], [sflag:$0x2] =	stream.indirect.gather [hbm4b:s5+s2], $0x20, s18, s2, $0xb8;
	[tilespmem:$0x5C00] =	vst v63  }
.LBB2_9:
0x189: {  	_ =	sfence.sel $0x180000  }
0x18a: {  	[bflag:$0x0] =	sbarrier.arrive $0xFFFF  }
0x18b: {  	_ =	strace $0x90000047  }
0x18c: {  	s0 =	stileid.u32;
	[bflag:$0x2] =	sbarrier.arrive $0xFFFF  }
0x18d: {  	p0 =	sne.s32 s0, $0x0;
	s0 =	rddreg [dreg:$0x3]  }
0x18e: {  	s0 =	sadd.s32 @!p0 $0x100000, s0  }
0x18f: {  	[sflag:s0] =	ssyncadd.tile.s32 @!p0 $0x1;
	_ =	shalt  }
.Lfunc_end2:
_tile_overlayer_lowered:
.L_overlay_start_2:
0x190: {  	(tag) =	ssettag $0x2  }
0x191: {  	s0 =	rddreg [dreg:$0x0];
	s2 =	stileid.u32  }
0x192: {  	s1 =	rddreg [dreg:$0x1];
	p0 =	sne.s32 s2, $0x0  }
0x193: {  	s3 =	rddreg [dreg:$0x2];
	[bflag:$0x3] =	sbarrier.arrive $0xFFFF;
	s2 =	simm.s32 @!p0 $0x1C04  }
0x194: {  	[timem:s3], [sflag:s2] =	dma.local @!p0 [hbm:s0], s1  }
0x195: {  	s0 =	simm.s32 @!p0 $0x4  }
0x196: {  	_ =	swait.ge @!p0 [sflag:s0], s1  }
0x197: {  	s1 =	ssub.s32 @!p0 $0x0, s1;
	[sflag:s0] =	ssyncset.done @!p0 $0x0  }
0x198: {  	[sflag:s0] =	ssyncadd.s32 @!p0 s1  }
0x199: {  	[bflag:$0x3] =	sbarrier.arrive $0xFFFF  }
0x19a: {  	_ =	shalt  }

</sc_bundles>
